<compile_context>
chip_gen: v7x
topology: tpu7x:2x2x1
jax: 0.10.2.dev20260603
libtpu: 0.0.44.dev20260713+nightly
codegen_flags: <defaults>
</compile_context>

<pallas_src>
import functools

import jax
import jax.numpy as jnp
from jax import lax
from jax.experimental import pallas as pl
from jax.experimental.pallas import tpu as pltpu
from jax.experimental.pallas import tpu_sc as plsc

N_TASKS = 8
N_EXPERTS = 16
TOP_K = 2
W_EX = 0.01
TOKENS = 8192

NC = 2
NS = 16
NW = NC * NS
ROWS = TOKENS // NW
GROUPS = ROWS // 16
STRIDE_L = N_EXPERTS + 1
STRIDE = 16 * STRIDE_L


def _sc_body(logits_hbm, labels_hbm, out_hbm, logits_v, labels_v, acc_v, seg_v,
             sem):
    wid = lax.axis_index("s") * NC + lax.axis_index("c")
    base = wid * ROWS
    cp1 = pltpu.async_copy(logits_hbm.at[:, pl.ds(base, ROWS)], logits_v, sem)
    cp2 = pltpu.async_copy(labels_hbm.at[pl.ds(base, ROWS)], labels_v, sem)

    zero = jnp.zeros((16,), jnp.float32)

    @plsc.parallel_loop(0, N_TASKS * STRIDE // 16, step=8)
    def zinit(i):
        for k in range(8):
            acc_v[pl.ds((i + k) * 16, 16)] = zero

    lane = lax.iota(jnp.int32, 16)
    lane17 = lane * STRIDE_L

    cp1.wait()
    cp2.wait()

    @plsc.parallel_loop(0, GROUPS, unroll=1)
    def group(j):
        exps = [jnp.exp(logits_v[e, pl.ds(j * 16, 16)])
                for e in range(N_EXPERTS)]
        t = exps
        while len(t) > 1:
            t = [t[i] + t[i + 1] for i in range(0, len(t), 2)]
        r = 1.0 / t[0]
        tbase = labels_v[pl.ds(j * 16, 16)] * STRIDE + lane17
        for e in range(N_EXPERTS):
            plsc.addupdate_scatter(acc_v, [tbase + e], exps[e] * r)

    def red(l, tots):
        off = l * STRIDE_L
        return tuple(
            tots[t] + plsc.load_gather(acc_v, [lane + (t * STRIDE) + off])
            for t in range(N_TASKS))

    segs = lax.fori_loop(0, 16, red, (zero,) * N_TASKS)
    for t in range(N_TASKS):
        seg_v[t] = segs[t]
    pltpu.sync_copy(seg_v, out_hbm.at[wid])


_sc_partials = functools.partial(
    pl.kernel,
    out_type=jax.ShapeDtypeStruct((NW, N_TASKS, N_EXPERTS), jnp.float32),
    mesh=plsc.VectorSubcoreMesh(core_axis_name="c", subcore_axis_name="s",
                                num_cores=NC),
    compiler_params=pltpu.CompilerParams(needs_layout_passes=False),
    scratch_types=[
        pltpu.VMEM((N_EXPERTS, ROWS), jnp.float32),
        pltpu.VMEM((ROWS,), jnp.int32),
        pltpu.VMEM((N_TASKS * STRIDE,), jnp.float32),
        pltpu.VMEM((N_TASKS, N_EXPERTS), jnp.float32),
        pltpu.SemaphoreType.DMA,
    ],
)(_sc_body)


def _counts_body(lab_ref, gate_ref):
    lab = lab_ref[...]
    rowid = lax.broadcasted_iota(jnp.int32, (N_TASKS, N_EXPERTS), 0)
    gate = jnp.zeros((N_TASKS, N_EXPERTS), jnp.float32)
    for t in range(N_TASKS):
        ct = jnp.sum((lab == t).astype(jnp.float32))
        gate = gate + jnp.where(rowid == t, ct, 0.0)
    gate_ref[...] = gate


def _tc_counts(labels2d):
    return pl.pallas_call(
        _counts_body,
        out_shape=jax.ShapeDtypeStruct((N_TASKS, N_EXPERTS), jnp.float32),
    )(labels2d)


def _tc_body(part_ref, gate_ref, out_ref):
    seg = jnp.zeros((N_TASKS, N_EXPERTS), jnp.float32)
    for k in range(NW):
        seg = seg + part_ref[pl.ds(k * N_TASKS, N_TASKS), :]
    ex_gate = gate_ref[...] * seg
    tot = jnp.sum(ex_gate) / TOP_K
    ex = ex_gate / (tot + 0.0001)
    p_ti = jnp.sum(ex, axis=1, keepdims=True) + 0.0001
    p_ei = jnp.sum(ex, axis=0, keepdims=True) + 0.0001
    expert_loss = -jnp.sum(ex * jnp.log(ex / p_ti / p_ei + 0.0001))
    out_ref[0, 0] = W_EX * expert_loss


def _tc_loss(partials, gate):
    return pl.pallas_call(
        _tc_body,
        out_shape=jax.ShapeDtypeStruct((1, 1), jnp.float32),
        out_specs=pl.BlockSpec(memory_space=pltpu.SMEM),
    )(partials, gate)


def kernel(router_logits, router_labels):
    logits = lax.stop_gradient(router_logits.astype(jnp.float32))
    labels = router_labels.astype(jnp.int32)
    partials = _sc_partials(logits.T, labels)
    gate = _tc_counts(labels.reshape(64, 128))
    loss = _tc_loss(partials.reshape(NW * N_TASKS, N_EXPERTS), gate)
    return loss.reshape(())

# --- scband reference (transcript-rebuilt; emitter-appended) ---
"""Pipeline reference for scband-mi-loss-17334488007391 (READ-ONLY COPY).

The authoritative reference and input builder live on the scoring server;
editing this copy changes nothing except your own understanding.
"""

import jax, jax.numpy as jnp
import numpy as np

NUM_TASKS = 8
NUM_EXPERTS = 16
TOPK = 2
WEX = 0.01


def setup_inputs(seed: int = 0) -> dict:
    key = jax.random.key(seed)
    k1, k2 = jax.random.split(key)
    router_logits = jax.random.normal(k1, (8192, NUM_EXPERTS), dtype=jnp.float32)
    router_labels = jax.random.randint(k2, (8192,), 0, NUM_TASKS, dtype=jnp.int32)
    return {"router_logits": router_logits, "router_labels": router_labels}


def reference(router_logits, router_labels):
    # call_update: logits are detached in the torch original -> stop_gradient
    logits = jax.lax.stop_gradient(router_logits.astype(jnp.float32))
    probs = jax.nn.softmax(logits, axis=-1).reshape(-1, NUM_EXPERTS)
    labels = router_labels.astype(jnp.int32)
    # Torch loop `for task in router_labels:` adds probs[labels==task].sum(0)
    # once PER OCCURRENCE of the task, so each task row is scaled by its count.
    seg = jax.ops.segment_sum(probs, labels, num_segments=NUM_TASKS)
    counts = jnp.bincount(labels, length=NUM_TASKS).astype(probs.dtype)
    EX_gate = counts[:, None] * seg  # EX_task_gate after updates (started at zeros)
    # calculate_mutual_information_loss
    tot = EX_gate.sum() / TOPK
    EX = EX_gate / (tot + 0.0001)
    P_TI = jnp.sum(EX, axis=1, keepdims=True) + 0.0001
    P_EI = jnp.sum(EX, axis=0, keepdims=True) + 0.0001
    expert_loss = -(EX * jnp.log(EX / P_TI / P_EI + 0.0001)).sum()
    return jnp.asarray(WEX, dtype=jnp.float32) * expert_loss

if __name__ == "__main__":
    import jax
    _d = setup_inputs()
    print(jax.jit(kernel)(*tuple(_d.values())))

</pallas_src>

<mosaic_0001>
#map = affine_map<(d0, d1) -> (0, 0)>
#map1 = affine_map<(d0, d1) -> (0)>
#map2 = affine_map<(d0, d1) -> (0, 0, 0)>
module attributes {stable_mosaic.version = 14 : i64} {
  func.func @_sc_body(%arg0: i32, %arg1: i32, %arg2: memref<16x8192xf32, #tpu.memory_space<hbm>>, %arg3: memref<8192xi32, #tpu.memory_space<hbm>>, %arg4: memref<32x8x16xf32, #tpu.memory_space<hbm>>, %arg5: memref<16x256xf32, #tpu.memory_space<vmem>>, %arg6: memref<256xi32, #tpu.memory_space<vmem>>, %arg7: memref<2176xf32, #tpu.memory_space<vmem>>, %arg8: memref<8x16xf32, #tpu.memory_space<vmem>>, %arg9: memref<!tpu.dma_semaphore, #tpu.memory_space<semaphore_mem>>) attributes {dimension_semantics = [#tpu.dimension_semantics<core_parallel>, #tpu.dimension_semantics<subcore_parallel>], iteration_bounds = array<i64: 2, 16>, scalar_prefetch = 0 : i64, scratch_operands = 5 : i64, tpu.core_type = #tpu.core_type<sc_vector_subcore>, window_params = [{transform_indices = #map}, {transform_indices = #map1}, {transform_indices = #map2}]} {
    %mul3A = arith.constant 2 : i32
    %mul3A_0 = arith.muli %arg1, %mul3A : i32
    %add3A = arith.addi %mul3A_0, %arg0 : i32
    %mul3A_1 = arith.constant 256 : i32
    %mul3A_2 = arith.muli %add3A, %mul3A_1 : i32
    %dma_start3A = arith.constant 0 : i32
    %dma_start3A_3 = tpu.memref_slice %arg2[%dma_start3A, %mul3A_2] : memref<16x8192xf32, #tpu.memory_space<hbm>> -> memref<16x256xf32, #tpu.memory_space<hbm>>
    %dma_start3A_4 = arith.constant 0 : i32
    %dma_start3A_5 = tpu.memref_slice %arg2[%dma_start3A_4, %mul3A_2] : memref<16x8192xf32, #tpu.memory_space<hbm>> -> memref<16x256xf32, #tpu.memory_space<hbm>>
    tpu.enqueue_dma source(%dma_start3A_5 : memref<16x256xf32, #tpu.memory_space<hbm>>) target(%arg5 : memref<16x256xf32, #tpu.memory_space<vmem>>) target_semaphore(%arg9 : memref<!tpu.dma_semaphore, #tpu.memory_space<semaphore_mem>>)
    %dma_start3A_6 = tpu.memref_slice %arg3[%mul3A_2] : memref<8192xi32, #tpu.memory_space<hbm>> -> memref<256xi32, #tpu.memory_space<hbm>>
    %dma_start3A_7 = tpu.memref_slice %arg3[%mul3A_2] : memref<8192xi32, #tpu.memory_space<hbm>> -> memref<256xi32, #tpu.memory_space<hbm>>
    tpu.enqueue_dma source(%dma_start3A_7 : memref<256xi32, #tpu.memory_space<hbm>>) target(%arg6 : memref<256xi32, #tpu.memory_space<vmem>>) target_semaphore(%arg9 : memref<!tpu.dma_semaphore, #tpu.memory_space<semaphore_mem>>)
    %broadcast_in_dim3A = arith.constant 0.000000e+00 : f32
    %broadcast_in_dim3A_8 = vector.broadcast %broadcast_in_dim3A : f32 to vector<16xf32>
    %parallel_loop3A = arith.constant 0 : i32
    %parallel_loop3A_9 = arith.constant 136 : i32
    %parallel_loop3A_10 = arith.constant 8 : i32
    scf.for %parallel_loop3A_58 = %parallel_loop3A to %parallel_loop3A_9 step %parallel_loop3A_10  : i32 {
      %parallel_loop3A_59 = arith.constant 0 : i32
      %parallel_loop3A_60 = arith.addi %parallel_loop3A_58, %parallel_loop3A_59 : i32
      %parallel_loop3A_61 = arith.constant 16 : i32
      %parallel_loop3A_62 = arith.muli %parallel_loop3A_60, %parallel_loop3A_61 : i32
      %parallel_loop3A_63 = arith.index_cast %parallel_loop3A_62 : i32 to index
      %parallel_loop3A_64 = tpu.vector_load %arg7[%parallel_loop3A_63] {strides = array<i32>} : memref<2176xf32, #tpu.memory_space<vmem>>, vector<16xf32>,
      tpu.vector_store %arg7[%parallel_loop3A_63], %broadcast_in_dim3A_8 {strides = array<i32>} : memref<2176xf32, #tpu.memory_space<vmem>>, vector<16xf32>,
      %parallel_loop3A_65 = arith.constant 1 : i32
      %parallel_loop3A_66 = arith.addi %parallel_loop3A_58, %parallel_loop3A_65 : i32
      %parallel_loop3A_67 = arith.constant 16 : i32
      %parallel_loop3A_68 = arith.muli %parallel_loop3A_66, %parallel_loop3A_67 : i32
      %parallel_loop3A_69 = arith.index_cast %parallel_loop3A_68 : i32 to index
      %parallel_loop3A_70 = tpu.vector_load %arg7[%parallel_loop3A_69] {strides = array<i32>} : memref<2176xf32, #tpu.memory_space<vmem>>, vector<16xf32>,
      tpu.vector_store %arg7[%parallel_loop3A_69], %broadcast_in_dim3A_8 {strides = array<i32>} : memref<2176xf32, #tpu.memory_space<vmem>>, vector<16xf32>,
      %parallel_loop3A_71 = arith.constant 2 : i32
      %parallel_loop3A_72 = arith.addi %parallel_loop3A_58, %parallel_loop3A_71 : i32
      %parallel_loop3A_73 = arith.constant 16 : i32
      %parallel_loop3A_74 = arith.muli %parallel_loop3A_72, %parallel_loop3A_73 : i32
      %parallel_loop3A_75 = arith.index_cast %parallel_loop3A_74 : i32 to index
      %parallel_loop3A_76 = tpu.vector_load %arg7[%parallel_loop3A_75] {strides = array<i32>} : memref<2176xf32, #tpu.memory_space<vmem>>, vector<16xf32>,
      tpu.vector_store %arg7[%parallel_loop3A_75], %broadcast_in_dim3A_8 {strides = array<i32>} : memref<2176xf32, #tpu.memory_space<vmem>>, vector<16xf32>,
      %parallel_loop3A_77 = arith.constant 3 : i32
      %parallel_loop3A_78 = arith.addi %parallel_loop3A_58, %parallel_loop3A_77 : i32
      %parallel_loop3A_79 = arith.constant 16 : i32
      %parallel_loop3A_80 = arith.muli %parallel_loop3A_78, %parallel_loop3A_79 : i32
      %parallel_loop3A_81 = arith.index_cast %parallel_loop3A_80 : i32 to index
      %parallel_loop3A_82 = tpu.vector_load %arg7[%parallel_loop3A_81] {strides = array<i32>} : memref<2176xf32, #tpu.memory_space<vmem>>, vector<16xf32>,
      tpu.vector_store %arg7[%parallel_loop3A_81], %broadcast_in_dim3A_8 {strides = array<i32>} : memref<2176xf32, #tpu.memory_space<vmem>>, vector<16xf32>,
      %parallel_loop3A_83 = arith.constant 4 : i32
      %parallel_loop3A_84 = arith.addi %parallel_loop3A_58, %parallel_loop3A_83 : i32
      %parallel_loop3A_85 = arith.constant 16 : i32
      %parallel_loop3A_86 = arith.muli %parallel_loop3A_84, %parallel_loop3A_85 : i32
      %parallel_loop3A_87 = arith.index_cast %parallel_loop3A_86 : i32 to index
      %parallel_loop3A_88 = tpu.vector_load %arg7[%parallel_loop3A_87] {strides = array<i32>} : memref<2176xf32, #tpu.memory_space<vmem>>, vector<16xf32>,
      tpu.vector_store %arg7[%parallel_loop3A_87], %broadcast_in_dim3A_8 {strides = array<i32>} : memref<2176xf32, #tpu.memory_space<vmem>>, vector<16xf32>,
      %parallel_loop3A_89 = arith.constant 5 : i32
      %parallel_loop3A_90 = arith.addi %parallel_loop3A_58, %parallel_loop3A_89 : i32
      %parallel_loop3A_91 = arith.constant 16 : i32
      %parallel_loop3A_92 = arith.muli %parallel_loop3A_90, %parallel_loop3A_91 : i32
      %parallel_loop3A_93 = arith.index_cast %parallel_loop3A_92 : i32 to index
      %parallel_loop3A_94 = tpu.vector_load %arg7[%parallel_loop3A_93] {strides = array<i32>} : memref<2176xf32, #tpu.memory_space<vmem>>, vector<16xf32>,
      tpu.vector_store %arg7[%parallel_loop3A_93], %broadcast_in_dim3A_8 {strides = array<i32>} : memref<2176xf32, #tpu.memory_space<vmem>>, vector<16xf32>,
      %parallel_loop3A_95 = arith.constant 6 : i32
      %parallel_loop3A_96 = arith.addi %parallel_loop3A_58, %parallel_loop3A_95 : i32
      %parallel_loop3A_97 = arith.constant 16 : i32
      %parallel_loop3A_98 = arith.muli %parallel_loop3A_96, %parallel_loop3A_97 : i32
      %parallel_loop3A_99 = arith.index_cast %parallel_loop3A_98 : i32 to index
      %parallel_loop3A_100 = tpu.vector_load %arg7[%parallel_loop3A_99] {strides = array<i32>} : memref<2176xf32, #tpu.memory_space<vmem>>, vector<16xf32>,
      tpu.vector_store %arg7[%parallel_loop3A_99], %broadcast_in_dim3A_8 {strides = array<i32>} : memref<2176xf32, #tpu.memory_space<vmem>>, vector<16xf32>,
      %parallel_loop3A_101 = arith.constant 7 : i32
      %parallel_loop3A_102 = arith.addi %parallel_loop3A_58, %parallel_loop3A_101 : i32
      %parallel_loop3A_103 = arith.constant 16 : i32
      %parallel_loop3A_104 = arith.muli %parallel_loop3A_102, %parallel_loop3A_103 : i32
      %parallel_loop3A_105 = arith.index_cast %parallel_loop3A_104 : i32 to index
      %parallel_loop3A_106 = tpu.vector_load %arg7[%parallel_loop3A_105] {strides = array<i32>} : memref<2176xf32, #tpu.memory_space<vmem>>, vector<16xf32>,
      tpu.vector_store %arg7[%parallel_loop3A_105], %broadcast_in_dim3A_8 {strides = array<i32>} : memref<2176xf32, #tpu.memory_space<vmem>>, vector<16xf32>,
    } {sc.loop_unroll_factor = 1 : i64, sc.parallel_access}
    %iota3A = tpu.iota {dimensions = array<i32: 0>} : vector<16xi32>
    %mul3A_11 = arith.constant 17 : i32
    %mul3A_12 = vector.broadcast %mul3A_11 : i32 to vector<16xi32>
    %mul3A_13 = arith.muli %iota3A, %mul3A_12 : vector<16xi32>
    %dma_wait3A = arith.constant 0 : i32
    %dma_wait3A_14 = tpu.memref_slice %arg2[%dma_wait3A, %mul3A_2] : memref<16x8192xf32, #tpu.memory_space<hbm>> -> memref<16x256xf32, #tpu.memory_space<hbm>>
    %dma_wait3A_15 = arith.constant 0 : i32
    %dma_wait3A_16 = tpu.memref_slice %arg2[%dma_wait3A_15, %mul3A_2] : memref<16x8192xf32, #tpu.memory_space<hbm>> -> memref<16x256xf32, #tpu.memory_space<hbm>>
    tpu.wait_dma2 semaphore(%arg9 : memref<!tpu.dma_semaphore, #tpu.memory_space<semaphore_mem>>) src(%dma_wait3A_16 : memref<16x256xf32, #tpu.memory_space<hbm>>) dst(%arg5 : memref<16x256xf32, #tpu.memory_space<vmem>>)
    %dma_wait3A_17 = tpu.memref_slice %arg3[%mul3A_2] : memref<8192xi32, #tpu.memory_space<hbm>> -> memref<256xi32, #tpu.memory_space<hbm>>
    %dma_wait3A_18 = tpu.memref_slice %arg3[%mul3A_2] : memref<8192xi32, #tpu.memory_space<hbm>> -> memref<256xi32, #tpu.memory_space<hbm>>
    tpu.wait_dma2 semaphore(%arg9 : memref<!tpu.dma_semaphore, #tpu.memory_space<semaphore_mem>>) src(%dma_wait3A_18 : memref<256xi32, #tpu.memory_space<hbm>>) dst(%arg6 : memref<256xi32, #tpu.memory_space<vmem>>)
    %parallel_loop3A_19 = arith.constant 0 : i32
    %parallel_loop3A_20 = arith.constant 16 : i32
    %parallel_loop3A_21 = arith.constant 1 : i32
    scf.for %parallel_loop3A_58 = %parallel_loop3A_19 to %parallel_loop3A_20 step %parallel_loop3A_21  : i32 {
      %parallel_loop3A_59 = arith.constant 16 : i32
      %parallel_loop3A_60 = arith.muli %parallel_loop3A_58, %parallel_loop3A_59 : i32
      %parallel_loop3A_61 = arith.constant 0 : i32
      %parallel_loop3A_62 = arith.index_cast %parallel_loop3A_61 : i32 to index
      %parallel_loop3A_63 = arith.index_cast %parallel_loop3A_60 : i32 to index
      %parallel_loop3A_64 = tpu.vector_load %arg5[%parallel_loop3A_62, %parallel_loop3A_63] {strides = array<i32>} : memref<16x256xf32, #tpu.memory_space<vmem>>, vector<16xf32>,
      %parallel_loop3A_65 = math.exp %parallel_loop3A_64 : vector<16xf32>
      %parallel_loop3A_66 = arith.constant 16 : i32
      %parallel_loop3A_67 = arith.muli %parallel_loop3A_58, %parallel_loop3A_66 : i32
      %parallel_loop3A_68 = arith.constant 1 : i32
      %parallel_loop3A_69 = arith.index_cast %parallel_loop3A_68 : i32 to index
      %parallel_loop3A_70 = arith.index_cast %parallel_loop3A_67 : i32 to index
      %parallel_loop3A_71 = tpu.vector_load %arg5[%parallel_loop3A_69, %parallel_loop3A_70] {strides = array<i32>} : memref<16x256xf32, #tpu.memory_space<vmem>>, vector<16xf32>,
      %parallel_loop3A_72 = math.exp %parallel_loop3A_71 : vector<16xf32>
      %parallel_loop3A_73 = arith.constant 16 : i32
      %parallel_loop3A_74 = arith.muli %parallel_loop3A_58, %parallel_loop3A_73 : i32
      %parallel_loop3A_75 = arith.constant 2 : i32
      %parallel_loop3A_76 = arith.index_cast %parallel_loop3A_75 : i32 to index
      %parallel_loop3A_77 = arith.index_cast %parallel_loop3A_74 : i32 to index
      %parallel_loop3A_78 = tpu.vector_load %arg5[%parallel_loop3A_76, %parallel_loop3A_77] {strides = array<i32>} : memref<16x256xf32, #tpu.memory_space<vmem>>, vector<16xf32>,
      %parallel_loop3A_79 = math.exp %parallel_loop3A_78 : vector<16xf32>
      %parallel_loop3A_80 = arith.constant 16 : i32
      %parallel_loop3A_81 = arith.muli %parallel_loop3A_58, %parallel_loop3A_80 : i32
      %parallel_loop3A_82 = arith.constant 3 : i32
      %parallel_loop3A_83 = arith.index_cast %parallel_loop3A_82 : i32 to index
      %parallel_loop3A_84 = arith.index_cast %parallel_loop3A_81 : i32 to index
      %parallel_loop3A_85 = tpu.vector_load %arg5[%parallel_loop3A_83, %parallel_loop3A_84] {strides = array<i32>} : memref<16x256xf32, #tpu.memory_space<vmem>>, vector<16xf32>,
      %parallel_loop3A_86 = math.exp %parallel_loop3A_85 : vector<16xf32>
      %parallel_loop3A_87 = arith.constant 16 : i32
      %parallel_loop3A_88 = arith.muli %parallel_loop3A_58, %parallel_loop3A_87 : i32
      %parallel_loop3A_89 = arith.constant 4 : i32
      %parallel_loop3A_90 = arith.index_cast %parallel_loop3A_89 : i32 to index
      %parallel_loop3A_91 = arith.index_cast %parallel_loop3A_88 : i32 to index
      %parallel_loop3A_92 = tpu.vector_load %arg5[%parallel_loop3A_90, %parallel_loop3A_91] {strides = array<i32>} : memref<16x256xf32, #tpu.memory_space<vmem>>, vector<16xf32>,
      %parallel_loop3A_93 = math.exp %parallel_loop3A_92 : vector<16xf32>
      %parallel_loop3A_94 = arith.constant 16 : i32
      %parallel_loop3A_95 = arith.muli %parallel_loop3A_58, %parallel_loop3A_94 : i32
      %parallel_loop3A_96 = arith.constant 5 : i32
      %parallel_loop3A_97 = arith.index_cast %parallel_loop3A_96 : i32 to index
      %parallel_loop3A_98 = arith.index_cast %parallel_loop3A_95 : i32 to index
      %parallel_loop3A_99 = tpu.vector_load %arg5[%parallel_loop3A_97, %parallel_loop3A_98] {strides = array<i32>} : memref<16x256xf32, #tpu.memory_space<vmem>>, vector<16xf32>,
      %parallel_loop3A_100 = math.exp %parallel_loop3A_99 : vector<16xf32>
      %parallel_loop3A_101 = arith.constant 16 : i32
      %parallel_loop3A_102 = arith.muli %parallel_loop3A_58, %parallel_loop3A_101 : i32
      %parallel_loop3A_103 = arith.constant 6 : i32
      %parallel_loop3A_104 = arith.index_cast %parallel_loop3A_103 : i32 to index
      %parallel_loop3A_105 = arith.index_cast %parallel_loop3A_102 : i32 to index
      %parallel_loop3A_106 = tpu.vector_load %arg5[%parallel_loop3A_104, %parallel_loop3A_105] {strides = array<i32>} : memref<16x256xf32, #tpu.memory_space<vmem>>, vector<16xf32>,
      %parallel_loop3A_107 = math.exp %parallel_loop3A_106 : vector<16xf32>
      %parallel_loop3A_108 = arith.constant 16 : i32
      %parallel_loop3A_109 = arith.muli %parallel_loop3A_58, %parallel_loop3A_108 : i32
      %parallel_loop3A_110 = arith.constant 7 : i32
      %parallel_loop3A_111 = arith.index_cast %parallel_loop3A_110 : i32 to index
      %parallel_loop3A_112 = arith.index_cast %parallel_loop3A_109 : i32 to index
      %parallel_loop3A_113 = tpu.vector_load %arg5[%parallel_loop3A_111, %parallel_loop3A_112] {strides = array<i32>} : memref<16x256xf32, #tpu.memory_space<vmem>>, vector<16xf32>,
      %parallel_loop3A_114 = math.exp %parallel_loop3A_113 : vector<16xf32>
      %parallel_loop3A_115 = arith.constant 16 : i32
      %parallel_loop3A_116 = arith.muli %parallel_loop3A_58, %parallel_loop3A_115 : i32
      %parallel_loop3A_117 = arith.constant 8 : i32
      %parallel_loop3A_118 = arith.index_cast %parallel_loop3A_117 : i32 to index
      %parallel_loop3A_119 = arith.index_cast %parallel_loop3A_116 : i32 to index
      %parallel_loop3A_120 = tpu.vector_load %arg5[%parallel_loop3A_118, %parallel_loop3A_119] {strides = array<i32>} : memref<16x256xf32, #tpu.memory_space<vmem>>, vector<16xf32>,
      %parallel_loop3A_121 = math.exp %parallel_loop3A_120 : vector<16xf32>
      %parallel_loop3A_122 = arith.constant 16 : i32
      %parallel_loop3A_123 = arith.muli %parallel_loop3A_58, %parallel_loop3A_122 : i32
      %parallel_loop3A_124 = arith.constant 9 : i32
      %parallel_loop3A_125 = arith.index_cast %parallel_loop3A_124 : i32 to index
      %parallel_loop3A_126 = arith.index_cast %parallel_loop3A_123 : i32 to index
      %parallel_loop3A_127 = tpu.vector_load %arg5[%parallel_loop3A_125, %parallel_loop3A_126] {strides = array<i32>} : memref<16x256xf32, #tpu.memory_space<vmem>>, vector<16xf32>,
      %parallel_loop3A_128 = math.exp %parallel_loop3A_127 : vector<16xf32>
      %parallel_loop3A_129 = arith.constant 16 : i32
      %parallel_loop3A_130 = arith.muli %parallel_loop3A_58, %parallel_loop3A_129 : i32
      %parallel_loop3A_131 = arith.constant 10 : i32
      %parallel_loop3A_132 = arith.index_cast %parallel_loop3A_131 : i32 to index
      %parallel_loop3A_133 = arith.index_cast %parallel_loop3A_130 : i32 to index
      %parallel_loop3A_134 = tpu.vector_load %arg5[%parallel_loop3A_132, %parallel_loop3A_133] {strides = array<i32>} : memref<16x256xf32, #tpu.memory_space<vmem>>, vector<16xf32>,
      %parallel_loop3A_135 = math.exp %parallel_loop3A_134 : vector<16xf32>
      %parallel_loop3A_136 = arith.constant 16 : i32
      %parallel_loop3A_137 = arith.muli %parallel_loop3A_58, %parallel_loop3A_136 : i32
      %parallel_loop3A_138 = arith.constant 11 : i32
      %parallel_loop3A_139 = arith.index_cast %parallel_loop3A_138 : i32 to index
      %parallel_loop3A_140 = arith.index_cast %parallel_loop3A_137 : i32 to index
      %parallel_loop3A_141 = tpu.vector_load %arg5[%parallel_loop3A_139, %parallel_loop3A_140] {strides = array<i32>} : memref<16x256xf32, #tpu.memory_space<vmem>>, vector<16xf32>,
      %parallel_loop3A_142 = math.exp %parallel_loop3A_141 : vector<16xf32>
      %parallel_loop3A_143 = arith.constant 16 : i32
      %parallel_loop3A_144 = arith.muli %parallel_loop3A_58, %parallel_loop3A_143 : i32
      %parallel_loop3A_145 = arith.constant 12 : i32
      %parallel_loop3A_146 = arith.index_cast %parallel_loop3A_145 : i32 to index
      %parallel_loop3A_147 = arith.index_cast %parallel_loop3A_144 : i32 to index
      %parallel_loop3A_148 = tpu.vector_load %arg5[%parallel_loop3A_146, %parallel_loop3A_147] {strides = array<i32>} : memref<16x256xf32, #tpu.memory_space<vmem>>, vector<16xf32>,
      %parallel_loop3A_149 = math.exp %parallel_loop3A_148 : vector<16xf32>
      %parallel_loop3A_150 = arith.constant 16 : i32
      %parallel_loop3A_151 = arith.muli %parallel_loop3A_58, %parallel_loop3A_150 : i32
      %parallel_loop3A_152 = arith.constant 13 : i32
      %parallel_loop3A_153 = arith.index_cast %parallel_loop3A_152 : i32 to index
      %parallel_loop3A_154 = arith.index_cast %parallel_loop3A_151 : i32 to index
      %parallel_loop3A_155 = tpu.vector_load %arg5[%parallel_loop3A_153, %parallel_loop3A_154] {strides = array<i32>} : memref<16x256xf32, #tpu.memory_space<vmem>>, vector<16xf32>,
      %parallel_loop3A_156 = math.exp %parallel_loop3A_155 : vector<16xf32>
      %parallel_loop3A_157 = arith.constant 16 : i32
      %parallel_loop3A_158 = arith.muli %parallel_loop3A_58, %parallel_loop3A_157 : i32
      %parallel_loop3A_159 = arith.constant 14 : i32
      %parallel_loop3A_160 = arith.index_cast %parallel_loop3A_159 : i32 to index
      %parallel_loop3A_161 = arith.index_cast %parallel_loop3A_158 : i32 to index
      %parallel_loop3A_162 = tpu.vector_load %arg5[%parallel_loop3A_160, %parallel_loop3A_161] {strides = array<i32>} : memref<16x256xf32, #tpu.memory_space<vmem>>, vector<16xf32>,
      %parallel_loop3A_163 = math.exp %parallel_loop3A_162 : vector<16xf32>
      %parallel_loop3A_164 = arith.constant 16 : i32
      %parallel_loop3A_165 = arith.muli %parallel_loop3A_58, %parallel_loop3A_164 : i32
      %parallel_loop3A_166 = arith.constant 15 : i32
      %parallel_loop3A_167 = arith.index_cast %parallel_loop3A_166 : i32 to index
      %parallel_loop3A_168 = arith.index_cast %parallel_loop3A_165 : i32 to index
      %parallel_loop3A_169 = tpu.vector_load %arg5[%parallel_loop3A_167, %parallel_loop3A_168] {strides = array<i32>} : memref<16x256xf32, #tpu.memory_space<vmem>>, vector<16xf32>,
      %parallel_loop3A_170 = math.exp %parallel_loop3A_169 : vector<16xf32>
      %parallel_loop3A_171 = arith.addf %parallel_loop3A_65, %parallel_loop3A_72 : vector<16xf32>
      %parallel_loop3A_172 = arith.addf %parallel_loop3A_79, %parallel_loop3A_86 : vector<16xf32>
      %parallel_loop3A_173 = arith.addf %parallel_loop3A_93, %parallel_loop3A_100 : vector<16xf32>
      %parallel_loop3A_174 = arith.addf %parallel_loop3A_107, %parallel_loop3A_114 : vector<16xf32>
      %parallel_loop3A_175 = arith.addf %parallel_loop3A_121, %parallel_loop3A_128 : vector<16xf32>
      %parallel_loop3A_176 = arith.addf %parallel_loop3A_135, %parallel_loop3A_142 : vector<16xf32>
      %parallel_loop3A_177 = arith.addf %parallel_loop3A_149, %parallel_loop3A_156 : vector<16xf32>
      %parallel_loop3A_178 = arith.addf %parallel_loop3A_163, %parallel_loop3A_170 : vector<16xf32>
      %parallel_loop3A_179 = arith.addf %parallel_loop3A_171, %parallel_loop3A_172 : vector<16xf32>
      %parallel_loop3A_180 = arith.addf %parallel_loop3A_173, %parallel_loop3A_174 : vector<16xf32>
      %parallel_loop3A_181 = arith.addf %parallel_loop3A_175, %parallel_loop3A_176 : vector<16xf32>
      %parallel_loop3A_182 = arith.addf %parallel_loop3A_177, %parallel_loop3A_178 : vector<16xf32>
      %parallel_loop3A_183 = arith.addf %parallel_loop3A_179, %parallel_loop3A_180 : vector<16xf32>
      %parallel_loop3A_184 = arith.addf %parallel_loop3A_181, %parallel_loop3A_182 : vector<16xf32>
      %parallel_loop3A_185 = arith.addf %parallel_loop3A_183, %parallel_loop3A_184 : vector<16xf32>
      %parallel_loop3A_186 = arith.constant 1.000000e+00 : f32
      %parallel_loop3A_187 = vector.broadcast %parallel_loop3A_186 : f32 to vector<16xf32>
      %parallel_loop3A_188 = arith.divf %parallel_loop3A_187, %parallel_loop3A_185 : vector<16xf32>
      %parallel_loop3A_189 = arith.constant 16 : i32
      %parallel_loop3A_190 = arith.muli %parallel_loop3A_58, %parallel_loop3A_189 : i32
      %parallel_loop3A_191 = arith.index_cast %parallel_loop3A_190 : i32 to index
      %parallel_loop3A_192 = tpu.vector_load %arg6[%parallel_loop3A_191] {strides = array<i32>} : memref<256xi32, #tpu.memory_space<vmem>>, vector<16xi32>,
      %parallel_loop3A_193 = arith.constant 272 : i32
      %parallel_loop3A_194 = vector.broadcast %parallel_loop3A_193 : i32 to vector<16xi32>
      %parallel_loop3A_195 = arith.muli %parallel_loop3A_192, %parallel_loop3A_194 : vector<16xi32>
      %parallel_loop3A_196 = arith.addi %parallel_loop3A_195, %mul3A_13 : vector<16xi32>
      %parallel_loop3A_197 = arith.constant 0 : i32
      %parallel_loop3A_198 = vector.broadcast %parallel_loop3A_197 : i32 to vector<16xi32>
      %parallel_loop3A_199 = arith.addi %parallel_loop3A_196, %parallel_loop3A_198 : vector<16xi32>
      %parallel_loop3A_200 = arith.mulf %parallel_loop3A_65, %parallel_loop3A_188 : vector<16xf32>
      tpu.vector_store_idx %arg7[%parallel_loop3A_199], %parallel_loop3A_200 {add = true} : memref<2176xf32, #tpu.memory_space<vmem>>[vector<16xi32>], vector<16xf32>,
      %parallel_loop3A_201 = arith.constant 1 : i32
      %parallel_loop3A_202 = vector.broadcast %parallel_loop3A_201 : i32 to vector<16xi32>
      %parallel_loop3A_203 = arith.addi %parallel_loop3A_196, %parallel_loop3A_202 : vector<16xi32>
      %parallel_loop3A_204 = arith.mulf %parallel_loop3A_72, %parallel_loop3A_188 : vector<16xf32>
      tpu.vector_store_idx %arg7[%parallel_loop3A_203], %parallel_loop3A_204 {add = true} : memref<2176xf32, #tpu.memory_space<vmem>>[vector<16xi32>], vector<16xf32>,
      %parallel_loop3A_205 = arith.constant 2 : i32
      %parallel_loop3A_206 = vector.broadcast %parallel_loop3A_205 : i32 to vector<16xi32>
      %parallel_loop3A_207 = arith.addi %parallel_loop3A_196, %parallel_loop3A_206 : vector<16xi32>
      %parallel_loop3A_208 = arith.mulf %parallel_loop3A_79, %parallel_loop3A_188 : vector<16xf32>
      tpu.vector_store_idx %arg7[%parallel_loop3A_207], %parallel_loop3A_208 {add = true} : memref<2176xf32, #tpu.memory_space<vmem>>[vector<16xi32>], vector<16xf32>,
      %parallel_loop3A_209 = arith.constant 3 : i32
      %parallel_loop3A_210 = vector.broadcast %parallel_loop3A_209 : i32 to vector<16xi32>
      %parallel_loop3A_211 = arith.addi %parallel_loop3A_196, %parallel_loop3A_210 : vector<16xi32>
      %parallel_loop3A_212 = arith.mulf %parallel_loop3A_86, %parallel_loop3A_188 : vector<16xf32>
      tpu.vector_store_idx %arg7[%parallel_loop3A_211], %parallel_loop3A_212 {add = true} : memref<2176xf32, #tpu.memory_space<vmem>>[vector<16xi32>], vector<16xf32>,
      %parallel_loop3A_213 = arith.constant 4 : i32
      %parallel_loop3A_214 = vector.broadcast %parallel_loop3A_213 : i32 to vector<16xi32>
      %parallel_loop3A_215 = arith.addi %parallel_loop3A_196, %parallel_loop3A_214 : vector<16xi32>
      %parallel_loop3A_216 = arith.mulf %parallel_loop3A_93, %parallel_loop3A_188 : vector<16xf32>
      tpu.vector_store_idx %arg7[%parallel_loop3A_215], %parallel_loop3A_216 {add = true} : memref<2176xf32, #tpu.memory_space<vmem>>[vector<16xi32>], vector<16xf32>,
      %parallel_loop3A_217 = arith.constant 5 : i32
      %parallel_loop3A_218 = vector.broadcast %parallel_loop3A_217 : i32 to vector<16xi32>
      %parallel_loop3A_219 = arith.addi %parallel_loop3A_196, %parallel_loop3A_218 : vector<16xi32>
      %parallel_loop3A_220 = arith.mulf %parallel_loop3A_100, %parallel_loop3A_188 : vector<16xf32>
      tpu.vector_store_idx %arg7[%parallel_loop3A_219], %parallel_loop3A_220 {add = true} : memref<2176xf32, #tpu.memory_space<vmem>>[vector<16xi32>], vector<16xf32>,
      %parallel_loop3A_221 = arith.constant 6 : i32
      %parallel_loop3A_222 = vector.broadcast %parallel_loop3A_221 : i32 to vector<16xi32>
      %parallel_loop3A_223 = arith.addi %parallel_loop3A_196, %parallel_loop3A_222 : vector<16xi32>
      %parallel_loop3A_224 = arith.mulf %parallel_loop3A_107, %parallel_loop3A_188 : vector<16xf32>
      tpu.vector_store_idx %arg7[%parallel_loop3A_223], %parallel_loop3A_224 {add = true} : memref<2176xf32, #tpu.memory_space<vmem>>[vector<16xi32>], vector<16xf32>,
      %parallel_loop3A_225 = arith.constant 7 : i32
      %parallel_loop3A_226 = vector.broadcast %parallel_loop3A_225 : i32 to vector<16xi32>
      %parallel_loop3A_227 = arith.addi %parallel_loop3A_196, %parallel_loop3A_226 : vector<16xi32>
      %parallel_loop3A_228 = arith.mulf %parallel_loop3A_114, %parallel_loop3A_188 : vector<16xf32>
      tpu.vector_store_idx %arg7[%parallel_loop3A_227], %parallel_loop3A_228 {add = true} : memref<2176xf32, #tpu.memory_space<vmem>>[vector<16xi32>], vector<16xf32>,
      %parallel_loop3A_229 = arith.constant 8 : i32
      %parallel_loop3A_230 = vector.broadcast %parallel_loop3A_229 : i32 to vector<16xi32>
      %parallel_loop3A_231 = arith.addi %parallel_loop3A_196, %parallel_loop3A_230 : vector<16xi32>
      %parallel_loop3A_232 = arith.mulf %parallel_loop3A_121, %parallel_loop3A_188 : vector<16xf32>
      tpu.vector_store_idx %arg7[%parallel_loop3A_231], %parallel_loop3A_232 {add = true} : memref<2176xf32, #tpu.memory_space<vmem>>[vector<16xi32>], vector<16xf32>,
      %parallel_loop3A_233 = arith.constant 9 : i32
      %parallel_loop3A_234 = vector.broadcast %parallel_loop3A_233 : i32 to vector<16xi32>
      %parallel_loop3A_235 = arith.addi %parallel_loop3A_196, %parallel_loop3A_234 : vector<16xi32>
      %parallel_loop3A_236 = arith.mulf %parallel_loop3A_128, %parallel_loop3A_188 : vector<16xf32>
      tpu.vector_store_idx %arg7[%parallel_loop3A_235], %parallel_loop3A_236 {add = true} : memref<2176xf32, #tpu.memory_space<vmem>>[vector<16xi32>], vector<16xf32>,
      %parallel_loop3A_237 = arith.constant 10 : i32
      %parallel_loop3A_238 = vector.broadcast %parallel_loop3A_237 : i32 to vector<16xi32>
      %parallel_loop3A_239 = arith.addi %parallel_loop3A_196, %parallel_loop3A_238 : vector<16xi32>
      %parallel_loop3A_240 = arith.mulf %parallel_loop3A_135, %parallel_loop3A_188 : vector<16xf32>
      tpu.vector_store_idx %arg7[%parallel_loop3A_239], %parallel_loop3A_240 {add = true} : memref<2176xf32, #tpu.memory_space<vmem>>[vector<16xi32>], vector<16xf32>,
      %parallel_loop3A_241 = arith.constant 11 : i32
      %parallel_loop3A_242 = vector.broadcast %parallel_loop3A_241 : i32 to vector<16xi32>
      %parallel_loop3A_243 = arith.addi %parallel_loop3A_196, %parallel_loop3A_242 : vector<16xi32>
      %parallel_loop3A_244 = arith.mulf %parallel_loop3A_142, %parallel_loop3A_188 : vector<16xf32>
      tpu.vector_store_idx %arg7[%parallel_loop3A_243], %parallel_loop3A_244 {add = true} : memref<2176xf32, #tpu.memory_space<vmem>>[vector<16xi32>], vector<16xf32>,
      %parallel_loop3A_245 = arith.constant 12 : i32
      %parallel_loop3A_246 = vector.broadcast %parallel_loop3A_245 : i32 to vector<16xi32>
      %parallel_loop3A_247 = arith.addi %parallel_loop3A_196, %parallel_loop3A_246 : vector<16xi32>
      %parallel_loop3A_248 = arith.mulf %parallel_loop3A_149, %parallel_loop3A_188 : vector<16xf32>
      tpu.vector_store_idx %arg7[%parallel_loop3A_247], %parallel_loop3A_248 {add = true} : memref<2176xf32, #tpu.memory_space<vmem>>[vector<16xi32>], vector<16xf32>,
      %parallel_loop3A_249 = arith.constant 13 : i32
      %parallel_loop3A_250 = vector.broadcast %parallel_loop3A_249 : i32 to vector<16xi32>
      %parallel_loop3A_251 = arith.addi %parallel_loop3A_196, %parallel_loop3A_250 : vector<16xi32>
      %parallel_loop3A_252 = arith.mulf %parallel_loop3A_156, %parallel_loop3A_188 : vector<16xf32>
      tpu.vector_store_idx %arg7[%parallel_loop3A_251], %parallel_loop3A_252 {add = true} : memref<2176xf32, #tpu.memory_space<vmem>>[vector<16xi32>], vector<16xf32>,
      %parallel_loop3A_253 = arith.constant 14 : i32
      %parallel_loop3A_254 = vector.broadcast %parallel_loop3A_253 : i32 to vector<16xi32>
      %parallel_loop3A_255 = arith.addi %parallel_loop3A_196, %parallel_loop3A_254 : vector<16xi32>
      %parallel_loop3A_256 = arith.mulf %parallel_loop3A_163, %parallel_loop3A_188 : vector<16xf32>
      tpu.vector_store_idx %arg7[%parallel_loop3A_255], %parallel_loop3A_256 {add = true} : memref<2176xf32, #tpu.memory_space<vmem>>[vector<16xi32>], vector<16xf32>,
      %parallel_loop3A_257 = arith.constant 15 : i32
      %parallel_loop3A_258 = vector.broadcast %parallel_loop3A_257 : i32 to vector<16xi32>
      %parallel_loop3A_259 = arith.addi %parallel_loop3A_196, %parallel_loop3A_258 : vector<16xi32>
      %parallel_loop3A_260 = arith.mulf %parallel_loop3A_170, %parallel_loop3A_188 : vector<16xf32>
      tpu.vector_store_idx %arg7[%parallel_loop3A_259], %parallel_loop3A_260 {add = true} : memref<2176xf32, #tpu.memory_space<vmem>>[vector<16xi32>], vector<16xf32>,
    } {sc.loop_unroll_factor = 1 : i64, sc.parallel_access}
    %scan3A = arith.constant 0 : i32
    %scan3A_22 = arith.constant 16 : i32
    %scan3A_23 = arith.addi %scan3A, %scan3A_22 : i32
    %scan3A_24 = arith.constant 1 : i32
    %scan3A_25:8 = scf.for %scan3A_58 = %scan3A to %scan3A_23 step %scan3A_24 iter_args(%scan3A_59 = %broadcast_in_dim3A_8, %scan3A_60 = %broadcast_in_dim3A_8, %scan3A_61 = %broadcast_in_dim3A_8, %scan3A_62 = %broadcast_in_dim3A_8, %scan3A_63 = %broadcast_in_dim3A_8, %scan3A_64 = %broadcast_in_dim3A_8, %scan3A_65 = %broadcast_in_dim3A_8, %scan3A_66 = %broadcast_in_dim3A_8) -> (vector<16xf32>, vector<16xf32>, vector<16xf32>, vector<16xf32>, vector<16xf32>, vector<16xf32>, vector<16xf32>, vector<16xf32>)  : i32 {
      %mul3A_67 = arith.constant 17 : i32
      %mul3A_68 = arith.muli %scan3A_58, %mul3A_67 : i32
      %add3A_69 = arith.constant 0 : i32
      %add3A_70 = vector.broadcast %add3A_69 : i32 to vector<16xi32>
      %add3A_71 = arith.addi %iota3A, %add3A_70 : vector<16xi32>
      %add3A_72 = vector.broadcast %mul3A_68 : i32 to vector<16xi32>
      %add3A_73 = arith.addi %add3A_71, %add3A_72 : vector<16xi32>
      %gather3A = tpu.vector_load_idx %arg7[%add3A_73] : memref<2176xf32, #tpu.memory_space<vmem>>[vector<16xi32>], vector<16xf32>,
      %add3A_74 = arith.addf %scan3A_59, %gather3A : vector<16xf32>
      %add3A_75 = arith.constant 272 : i32
      %add3A_76 = vector.broadcast %add3A_75 : i32 to vector<16xi32>
      %add3A_77 = arith.addi %iota3A, %add3A_76 : vector<16xi32>
      %add3A_78 = vector.broadcast %mul3A_68 : i32 to vector<16xi32>
      %add3A_79 = arith.addi %add3A_77, %add3A_78 : vector<16xi32>
      %gather3A_80 = tpu.vector_load_idx %arg7[%add3A_79] : memref<2176xf32, #tpu.memory_space<vmem>>[vector<16xi32>], vector<16xf32>,
      %add3A_81 = arith.addf %scan3A_60, %gather3A_80 : vector<16xf32>
      %add3A_82 = arith.constant 544 : i32
      %add3A_83 = vector.broadcast %add3A_82 : i32 to vector<16xi32>
      %add3A_84 = arith.addi %iota3A, %add3A_83 : vector<16xi32>
      %add3A_85 = vector.broadcast %mul3A_68 : i32 to vector<16xi32>
      %add3A_86 = arith.addi %add3A_84, %add3A_85 : vector<16xi32>
      %gather3A_87 = tpu.vector_load_idx %arg7[%add3A_86] : memref<2176xf32, #tpu.memory_space<vmem>>[vector<16xi32>], vector<16xf32>,
      %add3A_88 = arith.addf %scan3A_61, %gather3A_87 : vector<16xf32>
      %add3A_89 = arith.constant 816 : i32
      %add3A_90 = vector.broadcast %add3A_89 : i32 to vector<16xi32>
      %add3A_91 = arith.addi %iota3A, %add3A_90 : vector<16xi32>
      %add3A_92 = vector.broadcast %mul3A_68 : i32 to vector<16xi32>
      %add3A_93 = arith.addi %add3A_91, %add3A_92 : vector<16xi32>
      %gather3A_94 = tpu.vector_load_idx %arg7[%add3A_93] : memref<2176xf32, #tpu.memory_space<vmem>>[vector<16xi32>], vector<16xf32>,
      %add3A_95 = arith.addf %scan3A_62, %gather3A_94 : vector<16xf32>
      %add3A_96 = arith.constant 1088 : i32
      %add3A_97 = vector.broadcast %add3A_96 : i32 to vector<16xi32>
      %add3A_98 = arith.addi %iota3A, %add3A_97 : vector<16xi32>
      %add3A_99 = vector.broadcast %mul3A_68 : i32 to vector<16xi32>
      %add3A_100 = arith.addi %add3A_98, %add3A_99 : vector<16xi32>
      %gather3A_101 = tpu.vector_load_idx %arg7[%add3A_100] : memref<2176xf32, #tpu.memory_space<vmem>>[vector<16xi32>], vector<16xf32>,
      %add3A_102 = arith.addf %scan3A_63, %gather3A_101 : vector<16xf32>
      %add3A_103 = arith.constant 1360 : i32
      %add3A_104 = vector.broadcast %add3A_103 : i32 to vector<16xi32>
      %add3A_105 = arith.addi %iota3A, %add3A_104 : vector<16xi32>
      %add3A_106 = vector.broadcast %mul3A_68 : i32 to vector<16xi32>
      %add3A_107 = arith.addi %add3A_105, %add3A_106 : vector<16xi32>
      %gather3A_108 = tpu.vector_load_idx %arg7[%add3A_107] : memref<2176xf32, #tpu.memory_space<vmem>>[vector<16xi32>], vector<16xf32>,
      %add3A_109 = arith.addf %scan3A_64, %gather3A_108 : vector<16xf32>
      %add3A_110 = arith.constant 1632 : i32
      %add3A_111 = vector.broadcast %add3A_110 : i32 to vector<16xi32>
      %add3A_112 = arith.addi %iota3A, %add3A_111 : vector<16xi32>
      %add3A_113 = vector.broadcast %mul3A_68 : i32 to vector<16xi32>
      %add3A_114 = arith.addi %add3A_112, %add3A_113 : vector<16xi32>
      %gather3A_115 = tpu.vector_load_idx %arg7[%add3A_114] : memref<2176xf32, #tpu.memory_space<vmem>>[vector<16xi32>], vector<16xf32>,
      %add3A_116 = arith.addf %scan3A_65, %gather3A_115 : vector<16xf32>
      %add3A_117 = arith.constant 1904 : i32
      %add3A_118 = vector.broadcast %add3A_117 : i32 to vector<16xi32>
      %add3A_119 = arith.addi %iota3A, %add3A_118 : vector<16xi32>
      %add3A_120 = vector.broadcast %mul3A_68 : i32 to vector<16xi32>
      %add3A_121 = arith.addi %add3A_119, %add3A_120 : vector<16xi32>
      %gather3A_122 = tpu.vector_load_idx %arg7[%add3A_121] : memref<2176xf32, #tpu.memory_space<vmem>>[vector<16xi32>], vector<16xf32>,
      %add3A_123 = arith.addf %scan3A_66, %gather3A_122 : vector<16xf32>
      scf.yield %add3A_74, %add3A_81, %add3A_88, %add3A_95, %add3A_102, %add3A_109, %add3A_116, %add3A_123 : vector<16xf32>, vector<16xf32>, vector<16xf32>, vector<16xf32>, vector<16xf32>, vector<16xf32>, vector<16xf32>, vector<16xf32>
    }
    %scan3A_26 = arith.constant 16 : i32
    %swap3A = arith.constant 0 : i32
    %swap3A_27 = arith.index_cast %swap3A : i32 to index
    %swap3A_28 = arith.constant 0 : index
    %swap3A_29 = tpu.vector_load %arg8[%swap3A_27, %swap3A_28] {strides = array<i32>} : memref<8x16xf32, #tpu.memory_space<vmem>>, vector<16xf32>,
    tpu.vector_store %arg8[%swap3A_27, %swap3A_28], %scan3A_25#0 {strides = array<i32>} : memref<8x16xf32, #tpu.memory_space<vmem>>, vector<16xf32>,
    %swap3A_30 = arith.constant 1 : i32
    %swap3A_31 = arith.index_cast %swap3A_30 : i32 to index
    %swap3A_32 = arith.constant 0 : index
    %swap3A_33 = tpu.vector_load %arg8[%swap3A_31, %swap3A_32] {strides = array<i32>} : memref<8x16xf32, #tpu.memory_space<vmem>>, vector<16xf32>,
    tpu.vector_store %arg8[%swap3A_31, %swap3A_32], %scan3A_25#1 {strides = array<i32>} : memref<8x16xf32, #tpu.memory_space<vmem>>, vector<16xf32>,
    %swap3A_34 = arith.constant 2 : i32
    %swap3A_35 = arith.index_cast %swap3A_34 : i32 to index
    %swap3A_36 = arith.constant 0 : index
    %swap3A_37 = tpu.vector_load %arg8[%swap3A_35, %swap3A_36] {strides = array<i32>} : memref<8x16xf32, #tpu.memory_space<vmem>>, vector<16xf32>,
    tpu.vector_store %arg8[%swap3A_35, %swap3A_36], %scan3A_25#2 {strides = array<i32>} : memref<8x16xf32, #tpu.memory_space<vmem>>, vector<16xf32>,
    %swap3A_38 = arith.constant 3 : i32
    %swap3A_39 = arith.index_cast %swap3A_38 : i32 to index
    %swap3A_40 = arith.constant 0 : index
    %swap3A_41 = tpu.vector_load %arg8[%swap3A_39, %swap3A_40] {strides = array<i32>} : memref<8x16xf32, #tpu.memory_space<vmem>>, vector<16xf32>,
    tpu.vector_store %arg8[%swap3A_39, %swap3A_40], %scan3A_25#3 {strides = array<i32>} : memref<8x16xf32, #tpu.memory_space<vmem>>, vector<16xf32>,
    %swap3A_42 = arith.constant 4 : i32
    %swap3A_43 = arith.index_cast %swap3A_42 : i32 to index
    %swap3A_44 = arith.constant 0 : index
    %swap3A_45 = tpu.vector_load %arg8[%swap3A_43, %swap3A_44] {strides = array<i32>} : memref<8x16xf32, #tpu.memory_space<vmem>>, vector<16xf32>,
    tpu.vector_store %arg8[%swap3A_43, %swap3A_44], %scan3A_25#4 {strides = array<i32>} : memref<8x16xf32, #tpu.memory_space<vmem>>, vector<16xf32>,
    %swap3A_46 = arith.constant 5 : i32
    %swap3A_47 = arith.index_cast %swap3A_46 : i32 to index
    %swap3A_48 = arith.constant 0 : index
    %swap3A_49 = tpu.vector_load %arg8[%swap3A_47, %swap3A_48] {strides = array<i32>} : memref<8x16xf32, #tpu.memory_space<vmem>>, vector<16xf32>,
    tpu.vector_store %arg8[%swap3A_47, %swap3A_48], %scan3A_25#5 {strides = array<i32>} : memref<8x16xf32, #tpu.memory_space<vmem>>, vector<16xf32>,
    %swap3A_50 = arith.constant 6 : i32
    %swap3A_51 = arith.index_cast %swap3A_50 : i32 to index
    %swap3A_52 = arith.constant 0 : index
    %swap3A_53 = tpu.vector_load %arg8[%swap3A_51, %swap3A_52] {strides = array<i32>} : memref<8x16xf32, #tpu.memory_space<vmem>>, vector<16xf32>,
    tpu.vector_store %arg8[%swap3A_51, %swap3A_52], %scan3A_25#6 {strides = array<i32>} : memref<8x16xf32, #tpu.memory_space<vmem>>, vector<16xf32>,
    %swap3A_54 = arith.constant 7 : i32
    %swap3A_55 = arith.index_cast %swap3A_54 : i32 to index
    %swap3A_56 = arith.constant 0 : index
    %swap3A_57 = tpu.vector_load %arg8[%swap3A_55, %swap3A_56] {strides = array<i32>} : memref<8x16xf32, #tpu.memory_space<vmem>>, vector<16xf32>,
    tpu.vector_store %arg8[%swap3A_55, %swap3A_56], %scan3A_25#7 {strides = array<i32>} : memref<8x16xf32, #tpu.memory_space<vmem>>, vector<16xf32>,
    "tpu.region"() ({
      %run_scoped3A = tpu.sem_alloc : memref<!tpu.dma_semaphore, #tpu.memory_space<semaphore_mem>>
      %dma_start3A_58 = arith.constant 0 : i32
      %dma_start3A_59 = arith.constant 0 : i32
      %dma_start3A_60 = tpu.memref_slice %arg4[%add3A, %dma_start3A_58, %dma_start3A_59] : memref<32x8x16xf32, #tpu.memory_space<hbm>> -> memref<1x8x16xf32, #tpu.memory_space<hbm>>
      %dma_start3A_61 = tpu.memref_squeeze %dma_start3A_60 : memref<1x8x16xf32, #tpu.memory_space<hbm>> -> memref<8x16xf32, #tpu.memory_space<hbm>>
      %dma_start3A_62 = arith.constant 0 : i32
      %dma_start3A_63 = arith.constant 0 : i32
      %dma_start3A_64 = tpu.memref_slice %arg4[%add3A, %dma_start3A_62, %dma_start3A_63] : memref<32x8x16xf32, #tpu.memory_space<hbm>> -> memref<1x8x16xf32, #tpu.memory_space<hbm>>
      %dma_start3A_65 = tpu.memref_squeeze %dma_start3A_64 : memref<1x8x16xf32, #tpu.memory_space<hbm>> -> memref<8x16xf32, #tpu.memory_space<hbm>>
      tpu.enqueue_dma source(%arg8 : memref<8x16xf32, #tpu.memory_space<vmem>>) target(%dma_start3A_65 : memref<8x16xf32, #tpu.memory_space<hbm>>) target_semaphore(%run_scoped3A : memref<!tpu.dma_semaphore, #tpu.memory_space<semaphore_mem>>)
      %dma_wait3A_66 = arith.constant 0 : i32
      %dma_wait3A_67 = arith.constant 0 : i32
      %dma_wait3A_68 = tpu.memref_slice %arg4[%add3A, %dma_wait3A_66, %dma_wait3A_67] : memref<32x8x16xf32, #tpu.memory_space<hbm>> -> memref<1x8x16xf32, #tpu.memory_space<hbm>>
      %dma_wait3A_69 = tpu.memref_squeeze %dma_wait3A_68 : memref<1x8x16xf32, #tpu.memory_space<hbm>> -> memref<8x16xf32, #tpu.memory_space<hbm>>
      %dma_wait3A_70 = arith.constant 0 : i32
      %dma_wait3A_71 = arith.constant 0 : i32
      %dma_wait3A_72 = tpu.memref_slice %arg4[%add3A, %dma_wait3A_70, %dma_wait3A_71] : memref<32x8x16xf32, #tpu.memory_space<hbm>> -> memref<1x8x16xf32, #tpu.memory_space<hbm>>
      %dma_wait3A_73 = tpu.memref_squeeze %dma_wait3A_72 : memref<1x8x16xf32, #tpu.memory_space<hbm>> -> memref<8x16xf32, #tpu.memory_space<hbm>>
      tpu.wait_dma2 semaphore(%run_scoped3A : memref<!tpu.dma_semaphore, #tpu.memory_space<semaphore_mem>>) src(%arg8 : memref<8x16xf32, #tpu.memory_space<vmem>>) dst(%dma_wait3A_73 : memref<8x16xf32, #tpu.memory_space<hbm>>)
      tpu.yield
    }) : () -> ()
    return
  }
}

module attributes {stable_mosaic.version = 14 : i64} {
  func.func @_counts_body(%arg0: memref<64x128xi32, #tpu.memory_space<vmem>>, %arg1: memref<8x16xf32, #tpu.memory_space<vmem>>) attributes {dimension_semantics = [], scalar_prefetch = 0 : i64, scratch_operands = 0 : i64, tpu.core_type = #tpu.core_type<tc>} {
    %get3A = arith.constant 0 : index
    %get3A_0 = arith.constant 0 : index
    %get3A_1 = vector.load %arg0[%get3A, %get3A_0] : memref<64x128xi32, #tpu.memory_space<vmem>>, vector<64x128xi32>
    %iota3A = tpu.iota {dimensions = array<i32: 0>} : vector<8x16xi32>
    %broadcast_in_dim3A = arith.constant 0.000000e+00 : f32
    %broadcast_in_dim3A_2 = vector.broadcast %broadcast_in_dim3A : f32 to vector<8x16xf32>
    %eq3A = arith.constant 0 : i32
    %eq3A_3 = vector.broadcast %eq3A : i32 to vector<64x128xi32>
    %eq3A_4 = arith.cmpi eq, %get3A_1, %eq3A_3 : vector<64x128xi32>
    %convert_element_type3A = arith.extui %eq3A_4 : vector<64x128xi1> to vector<64x128xi32>
    %convert_element_type3A_5 = arith.sitofp %convert_element_type3A : vector<64x128xi32> to vector<64x128xf32>
    %reduce_sum3A = vector.shape_cast %convert_element_type3A_5 : vector<64x128xf32> to vector<1x64x128xf32>
    %reduce_sum3A_6 = arith.constant dense<0.000000e+00> : vector<1xf32>
    %reduce_sum3A_7 = vector.multi_reduction <add>, %reduce_sum3A, %reduce_sum3A_6 [1, 2] : vector<1x64x128xf32> to vector<1xf32>
    %reduce_sum3A_8 = vector.shape_cast %reduce_sum3A_7 : vector<1xf32> to vector<1x1x1xf32>
    %reduce_sum3A_9 = vector.extract %reduce_sum3A_8[0, 0, 0] : f32 from vector<1x1x1xf32>
    %eq3A_10 = arith.constant 0 : i32
    %eq3A_11 = vector.broadcast %eq3A_10 : i32 to vector<8x16xi32>
    %eq3A_12 = arith.cmpi eq, %iota3A, %eq3A_11 : vector<8x16xi32>
    %jit3A = arith.constant 0.000000e+00 : f32
    %broadcast_in_dim3A_13 = vector.broadcast %reduce_sum3A_9 : f32 to vector<8x16xf32>
    %broadcast_in_dim3A_14 = vector.broadcast %jit3A : f32 to vector<8x16xf32>
    %select_n3A = arith.select %eq3A_12, %broadcast_in_dim3A_13, %broadcast_in_dim3A_14 : vector<8x16xi1>, vector<8x16xf32>
    %add3A = arith.addf %broadcast_in_dim3A_2, %select_n3A : vector<8x16xf32>
    %eq3A_15 = arith.constant 1 : i32
    %eq3A_16 = vector.broadcast %eq3A_15 : i32 to vector<64x128xi32>
    %eq3A_17 = arith.cmpi eq, %get3A_1, %eq3A_16 : vector<64x128xi32>
    %convert_element_type3A_18 = arith.extui %eq3A_17 : vector<64x128xi1> to vector<64x128xi32>
    %convert_element_type3A_19 = arith.sitofp %convert_element_type3A_18 : vector<64x128xi32> to vector<64x128xf32>
    %reduce_sum3A_20 = vector.shape_cast %convert_element_type3A_19 : vector<64x128xf32> to vector<1x64x128xf32>
    %reduce_sum3A_21 = arith.constant dense<0.000000e+00> : vector<1xf32>
    %reduce_sum3A_22 = vector.multi_reduction <add>, %reduce_sum3A_20, %reduce_sum3A_21 [1, 2] : vector<1x64x128xf32> to vector<1xf32>
    %reduce_sum3A_23 = vector.shape_cast %reduce_sum3A_22 : vector<1xf32> to vector<1x1x1xf32>
    %reduce_sum3A_24 = vector.extract %reduce_sum3A_23[0, 0, 0] : f32 from vector<1x1x1xf32>
    %eq3A_25 = arith.constant 1 : i32
    %eq3A_26 = vector.broadcast %eq3A_25 : i32 to vector<8x16xi32>
    %eq3A_27 = arith.cmpi eq, %iota3A, %eq3A_26 : vector<8x16xi32>
    %jit3A_28 = arith.constant 0.000000e+00 : f32
    %broadcast_in_dim3A_29 = vector.broadcast %reduce_sum3A_24 : f32 to vector<8x16xf32>
    %broadcast_in_dim3A_30 = vector.broadcast %jit3A_28 : f32 to vector<8x16xf32>
    %select_n3A_31 = arith.select %eq3A_27, %broadcast_in_dim3A_29, %broadcast_in_dim3A_30 : vector<8x16xi1>, vector<8x16xf32>
    %add3A_32 = arith.addf %add3A, %select_n3A_31 : vector<8x16xf32>
    %eq3A_33 = arith.constant 2 : i32
    %eq3A_34 = vector.broadcast %eq3A_33 : i32 to vector<64x128xi32>
    %eq3A_35 = arith.cmpi eq, %get3A_1, %eq3A_34 : vector<64x128xi32>
    %convert_element_type3A_36 = arith.extui %eq3A_35 : vector<64x128xi1> to vector<64x128xi32>
    %convert_element_type3A_37 = arith.sitofp %convert_element_type3A_36 : vector<64x128xi32> to vector<64x128xf32>
    %reduce_sum3A_38 = vector.shape_cast %convert_element_type3A_37 : vector<64x128xf32> to vector<1x64x128xf32>
    %reduce_sum3A_39 = arith.constant dense<0.000000e+00> : vector<1xf32>
    %reduce_sum3A_40 = vector.multi_reduction <add>, %reduce_sum3A_38, %reduce_sum3A_39 [1, 2] : vector<1x64x128xf32> to vector<1xf32>
    %reduce_sum3A_41 = vector.shape_cast %reduce_sum3A_40 : vector<1xf32> to vector<1x1x1xf32>
    %reduce_sum3A_42 = vector.extract %reduce_sum3A_41[0, 0, 0] : f32 from vector<1x1x1xf32>
    %eq3A_43 = arith.constant 2 : i32
    %eq3A_44 = vector.broadcast %eq3A_43 : i32 to vector<8x16xi32>
    %eq3A_45 = arith.cmpi eq, %iota3A, %eq3A_44 : vector<8x16xi32>
    %jit3A_46 = arith.constant 0.000000e+00 : f32
    %broadcast_in_dim3A_47 = vector.broadcast %reduce_sum3A_42 : f32 to vector<8x16xf32>
    %broadcast_in_dim3A_48 = vector.broadcast %jit3A_46 : f32 to vector<8x16xf32>
    %select_n3A_49 = arith.select %eq3A_45, %broadcast_in_dim3A_47, %broadcast_in_dim3A_48 : vector<8x16xi1>, vector<8x16xf32>
    %add3A_50 = arith.addf %add3A_32, %select_n3A_49 : vector<8x16xf32>
    %eq3A_51 = arith.constant 3 : i32
    %eq3A_52 = vector.broadcast %eq3A_51 : i32 to vector<64x128xi32>
    %eq3A_53 = arith.cmpi eq, %get3A_1, %eq3A_52 : vector<64x128xi32>
    %convert_element_type3A_54 = arith.extui %eq3A_53 : vector<64x128xi1> to vector<64x128xi32>
    %convert_element_type3A_55 = arith.sitofp %convert_element_type3A_54 : vector<64x128xi32> to vector<64x128xf32>
    %reduce_sum3A_56 = vector.shape_cast %convert_element_type3A_55 : vector<64x128xf32> to vector<1x64x128xf32>
    %reduce_sum3A_57 = arith.constant dense<0.000000e+00> : vector<1xf32>
    %reduce_sum3A_58 = vector.multi_reduction <add>, %reduce_sum3A_56, %reduce_sum3A_57 [1, 2] : vector<1x64x128xf32> to vector<1xf32>
    %reduce_sum3A_59 = vector.shape_cast %reduce_sum3A_58 : vector<1xf32> to vector<1x1x1xf32>
    %reduce_sum3A_60 = vector.extract %reduce_sum3A_59[0, 0, 0] : f32 from vector<1x1x1xf32>
    %eq3A_61 = arith.constant 3 : i32
    %eq3A_62 = vector.broadcast %eq3A_61 : i32 to vector<8x16xi32>
    %eq3A_63 = arith.cmpi eq, %iota3A, %eq3A_62 : vector<8x16xi32>
    %jit3A_64 = arith.constant 0.000000e+00 : f32
    %broadcast_in_dim3A_65 = vector.broadcast %reduce_sum3A_60 : f32 to vector<8x16xf32>
    %broadcast_in_dim3A_66 = vector.broadcast %jit3A_64 : f32 to vector<8x16xf32>
    %select_n3A_67 = arith.select %eq3A_63, %broadcast_in_dim3A_65, %broadcast_in_dim3A_66 : vector<8x16xi1>, vector<8x16xf32>
    %add3A_68 = arith.addf %add3A_50, %select_n3A_67 : vector<8x16xf32>
    %eq3A_69 = arith.constant 4 : i32
    %eq3A_70 = vector.broadcast %eq3A_69 : i32 to vector<64x128xi32>
    %eq3A_71 = arith.cmpi eq, %get3A_1, %eq3A_70 : vector<64x128xi32>
    %convert_element_type3A_72 = arith.extui %eq3A_71 : vector<64x128xi1> to vector<64x128xi32>
    %convert_element_type3A_73 = arith.sitofp %convert_element_type3A_72 : vector<64x128xi32> to vector<64x128xf32>
    %reduce_sum3A_74 = vector.shape_cast %convert_element_type3A_73 : vector<64x128xf32> to vector<1x64x128xf32>
    %reduce_sum3A_75 = arith.constant dense<0.000000e+00> : vector<1xf32>
    %reduce_sum3A_76 = vector.multi_reduction <add>, %reduce_sum3A_74, %reduce_sum3A_75 [1, 2] : vector<1x64x128xf32> to vector<1xf32>
    %reduce_sum3A_77 = vector.shape_cast %reduce_sum3A_76 : vector<1xf32> to vector<1x1x1xf32>
    %reduce_sum3A_78 = vector.extract %reduce_sum3A_77[0, 0, 0] : f32 from vector<1x1x1xf32>
    %eq3A_79 = arith.constant 4 : i32
    %eq3A_80 = vector.broadcast %eq3A_79 : i32 to vector<8x16xi32>
    %eq3A_81 = arith.cmpi eq, %iota3A, %eq3A_80 : vector<8x16xi32>
    %jit3A_82 = arith.constant 0.000000e+00 : f32
    %broadcast_in_dim3A_83 = vector.broadcast %reduce_sum3A_78 : f32 to vector<8x16xf32>
    %broadcast_in_dim3A_84 = vector.broadcast %jit3A_82 : f32 to vector<8x16xf32>
    %select_n3A_85 = arith.select %eq3A_81, %broadcast_in_dim3A_83, %broadcast_in_dim3A_84 : vector<8x16xi1>, vector<8x16xf32>
    %add3A_86 = arith.addf %add3A_68, %select_n3A_85 : vector<8x16xf32>
    %eq3A_87 = arith.constant 5 : i32
    %eq3A_88 = vector.broadcast %eq3A_87 : i32 to vector<64x128xi32>
    %eq3A_89 = arith.cmpi eq, %get3A_1, %eq3A_88 : vector<64x128xi32>
    %convert_element_type3A_90 = arith.extui %eq3A_89 : vector<64x128xi1> to vector<64x128xi32>
    %convert_element_type3A_91 = arith.sitofp %convert_element_type3A_90 : vector<64x128xi32> to vector<64x128xf32>
    %reduce_sum3A_92 = vector.shape_cast %convert_element_type3A_91 : vector<64x128xf32> to vector<1x64x128xf32>
    %reduce_sum3A_93 = arith.constant dense<0.000000e+00> : vector<1xf32>
    %reduce_sum3A_94 = vector.multi_reduction <add>, %reduce_sum3A_92, %reduce_sum3A_93 [1, 2] : vector<1x64x128xf32> to vector<1xf32>
    %reduce_sum3A_95 = vector.shape_cast %reduce_sum3A_94 : vector<1xf32> to vector<1x1x1xf32>
    %reduce_sum3A_96 = vector.extract %reduce_sum3A_95[0, 0, 0] : f32 from vector<1x1x1xf32>
    %eq3A_97 = arith.constant 5 : i32
    %eq3A_98 = vector.broadcast %eq3A_97 : i32 to vector<8x16xi32>
    %eq3A_99 = arith.cmpi eq, %iota3A, %eq3A_98 : vector<8x16xi32>
    %jit3A_100 = arith.constant 0.000000e+00 : f32
    %broadcast_in_dim3A_101 = vector.broadcast %reduce_sum3A_96 : f32 to vector<8x16xf32>
    %broadcast_in_dim3A_102 = vector.broadcast %jit3A_100 : f32 to vector<8x16xf32>
    %select_n3A_103 = arith.select %eq3A_99, %broadcast_in_dim3A_101, %broadcast_in_dim3A_102 : vector<8x16xi1>, vector<8x16xf32>
    %add3A_104 = arith.addf %add3A_86, %select_n3A_103 : vector<8x16xf32>
    %eq3A_105 = arith.constant 6 : i32
    %eq3A_106 = vector.broadcast %eq3A_105 : i32 to vector<64x128xi32>
    %eq3A_107 = arith.cmpi eq, %get3A_1, %eq3A_106 : vector<64x128xi32>
    %convert_element_type3A_108 = arith.extui %eq3A_107 : vector<64x128xi1> to vector<64x128xi32>
    %convert_element_type3A_109 = arith.sitofp %convert_element_type3A_108 : vector<64x128xi32> to vector<64x128xf32>
    %reduce_sum3A_110 = vector.shape_cast %convert_element_type3A_109 : vector<64x128xf32> to vector<1x64x128xf32>
    %reduce_sum3A_111 = arith.constant dense<0.000000e+00> : vector<1xf32>
    %reduce_sum3A_112 = vector.multi_reduction <add>, %reduce_sum3A_110, %reduce_sum3A_111 [1, 2] : vector<1x64x128xf32> to vector<1xf32>
    %reduce_sum3A_113 = vector.shape_cast %reduce_sum3A_112 : vector<1xf32> to vector<1x1x1xf32>
    %reduce_sum3A_114 = vector.extract %reduce_sum3A_113[0, 0, 0] : f32 from vector<1x1x1xf32>
    %eq3A_115 = arith.constant 6 : i32
    %eq3A_116 = vector.broadcast %eq3A_115 : i32 to vector<8x16xi32>
    %eq3A_117 = arith.cmpi eq, %iota3A, %eq3A_116 : vector<8x16xi32>
    %jit3A_118 = arith.constant 0.000000e+00 : f32
    %broadcast_in_dim3A_119 = vector.broadcast %reduce_sum3A_114 : f32 to vector<8x16xf32>
    %broadcast_in_dim3A_120 = vector.broadcast %jit3A_118 : f32 to vector<8x16xf32>
    %select_n3A_121 = arith.select %eq3A_117, %broadcast_in_dim3A_119, %broadcast_in_dim3A_120 : vector<8x16xi1>, vector<8x16xf32>
    %add3A_122 = arith.addf %add3A_104, %select_n3A_121 : vector<8x16xf32>
    %eq3A_123 = arith.constant 7 : i32
    %eq3A_124 = vector.broadcast %eq3A_123 : i32 to vector<64x128xi32>
    %eq3A_125 = arith.cmpi eq, %get3A_1, %eq3A_124 : vector<64x128xi32>
    %convert_element_type3A_126 = arith.extui %eq3A_125 : vector<64x128xi1> to vector<64x128xi32>
    %convert_element_type3A_127 = arith.sitofp %convert_element_type3A_126 : vector<64x128xi32> to vector<64x128xf32>
    %reduce_sum3A_128 = vector.shape_cast %convert_element_type3A_127 : vector<64x128xf32> to vector<1x64x128xf32>
    %reduce_sum3A_129 = arith.constant dense<0.000000e+00> : vector<1xf32>
    %reduce_sum3A_130 = vector.multi_reduction <add>, %reduce_sum3A_128, %reduce_sum3A_129 [1, 2] : vector<1x64x128xf32> to vector<1xf32>
    %reduce_sum3A_131 = vector.shape_cast %reduce_sum3A_130 : vector<1xf32> to vector<1x1x1xf32>
    %reduce_sum3A_132 = vector.extract %reduce_sum3A_131[0, 0, 0] : f32 from vector<1x1x1xf32>
    %eq3A_133 = arith.constant 7 : i32
    %eq3A_134 = vector.broadcast %eq3A_133 : i32 to vector<8x16xi32>
    %eq3A_135 = arith.cmpi eq, %iota3A, %eq3A_134 : vector<8x16xi32>
    %jit3A_136 = arith.constant 0.000000e+00 : f32
    %broadcast_in_dim3A_137 = vector.broadcast %reduce_sum3A_132 : f32 to vector<8x16xf32>
    %broadcast_in_dim3A_138 = vector.broadcast %jit3A_136 : f32 to vector<8x16xf32>
    %select_n3A_139 = arith.select %eq3A_135, %broadcast_in_dim3A_137, %broadcast_in_dim3A_138 : vector<8x16xi1>, vector<8x16xf32>
    %add3A_140 = arith.addf %add3A_122, %select_n3A_139 : vector<8x16xf32>
    %swap3A = arith.constant 0 : index
    %swap3A_141 = arith.constant 0 : index
    %swap3A_142 = vector.load %arg1[%swap3A, %swap3A_141] : memref<8x16xf32, #tpu.memory_space<vmem>>, vector<8x16xf32>
    tpu.vector_store %arg1[%swap3A, %swap3A_141], %add3A_140 {strides = array<i32>} : memref<8x16xf32, #tpu.memory_space<vmem>>, vector<8x16xf32>,
    return
  }
}

module attributes {stable_mosaic.version = 14 : i64} {
  func.func @_tc_body(%arg0: memref<256x16xf32, #tpu.memory_space<vmem>>, %arg1: memref<8x16xf32, #tpu.memory_space<vmem>>, %arg2: memref<1x1xf32, #tpu.memory_space<smem>>) attributes {dimension_semantics = [], scalar_prefetch = 0 : i64, scratch_operands = 0 : i64, tpu.core_type = #tpu.core_type<tc>} {
    %broadcast_in_dim3A = arith.constant 0.000000e+00 : f32
    %broadcast_in_dim3A_0 = vector.broadcast %broadcast_in_dim3A : f32 to vector<8x16xf32>
    %get3A = arith.constant 0 : index
    %get3A_1 = arith.constant 0 : index
    %get3A_2 = vector.load %arg0[%get3A, %get3A_1] : memref<256x16xf32, #tpu.memory_space<vmem>>, vector<8x16xf32>
    %add3A = arith.addf %broadcast_in_dim3A_0, %get3A_2 : vector<8x16xf32>
    %get3A_3 = arith.constant 8 : index
    %get3A_4 = arith.constant 0 : index
    %get3A_5 = vector.load %arg0[%get3A_3, %get3A_4] : memref<256x16xf32, #tpu.memory_space<vmem>>, vector<8x16xf32>
    %add3A_6 = arith.addf %add3A, %get3A_5 : vector<8x16xf32>
    %get3A_7 = arith.constant 16 : index
    %get3A_8 = arith.constant 0 : index
    %get3A_9 = vector.load %arg0[%get3A_7, %get3A_8] : memref<256x16xf32, #tpu.memory_space<vmem>>, vector<8x16xf32>
    %add3A_10 = arith.addf %add3A_6, %get3A_9 : vector<8x16xf32>
    %get3A_11 = arith.constant 24 : index
    %get3A_12 = arith.constant 0 : index
    %get3A_13 = vector.load %arg0[%get3A_11, %get3A_12] : memref<256x16xf32, #tpu.memory_space<vmem>>, vector<8x16xf32>
    %add3A_14 = arith.addf %add3A_10, %get3A_13 : vector<8x16xf32>
    %get3A_15 = arith.constant 32 : index
    %get3A_16 = arith.constant 0 : index
    %get3A_17 = vector.load %arg0[%get3A_15, %get3A_16] : memref<256x16xf32, #tpu.memory_space<vmem>>, vector<8x16xf32>
    %add3A_18 = arith.addf %add3A_14, %get3A_17 : vector<8x16xf32>
    %get3A_19 = arith.constant 40 : index
    %get3A_20 = arith.constant 0 : index
    %get3A_21 = vector.load %arg0[%get3A_19, %get3A_20] : memref<256x16xf32, #tpu.memory_space<vmem>>, vector<8x16xf32>
    %add3A_22 = arith.addf %add3A_18, %get3A_21 : vector<8x16xf32>
    %get3A_23 = arith.constant 48 : index
    %get3A_24 = arith.constant 0 : index
    %get3A_25 = vector.load %arg0[%get3A_23, %get3A_24] : memref<256x16xf32, #tpu.memory_space<vmem>>, vector<8x16xf32>
    %add3A_26 = arith.addf %add3A_22, %get3A_25 : vector<8x16xf32>
    %get3A_27 = arith.constant 56 : index
    %get3A_28 = arith.constant 0 : index
    %get3A_29 = vector.load %arg0[%get3A_27, %get3A_28] : memref<256x16xf32, #tpu.memory_space<vmem>>, vector<8x16xf32>
    %add3A_30 = arith.addf %add3A_26, %get3A_29 : vector<8x16xf32>
    %get3A_31 = arith.constant 64 : index
    %get3A_32 = arith.constant 0 : index
    %get3A_33 = vector.load %arg0[%get3A_31, %get3A_32] : memref<256x16xf32, #tpu.memory_space<vmem>>, vector<8x16xf32>
    %add3A_34 = arith.addf %add3A_30, %get3A_33 : vector<8x16xf32>
    %get3A_35 = arith.constant 72 : index
    %get3A_36 = arith.constant 0 : index
    %get3A_37 = vector.load %arg0[%get3A_35, %get3A_36] : memref<256x16xf32, #tpu.memory_space<vmem>>, vector<8x16xf32>
    %add3A_38 = arith.addf %add3A_34, %get3A_37 : vector<8x16xf32>
    %get3A_39 = arith.constant 80 : index
    %get3A_40 = arith.constant 0 : index
    %get3A_41 = vector.load %arg0[%get3A_39, %get3A_40] : memref<256x16xf32, #tpu.memory_space<vmem>>, vector<8x16xf32>
    %add3A_42 = arith.addf %add3A_38, %get3A_41 : vector<8x16xf32>
    %get3A_43 = arith.constant 88 : index
    %get3A_44 = arith.constant 0 : index
    %get3A_45 = vector.load %arg0[%get3A_43, %get3A_44] : memref<256x16xf32, #tpu.memory_space<vmem>>, vector<8x16xf32>
    %add3A_46 = arith.addf %add3A_42, %get3A_45 : vector<8x16xf32>
    %get3A_47 = arith.constant 96 : index
    %get3A_48 = arith.constant 0 : index
    %get3A_49 = vector.load %arg0[%get3A_47, %get3A_48] : memref<256x16xf32, #tpu.memory_space<vmem>>, vector<8x16xf32>
    %add3A_50 = arith.addf %add3A_46, %get3A_49 : vector<8x16xf32>
    %get3A_51 = arith.constant 104 : index
    %get3A_52 = arith.constant 0 : index
    %get3A_53 = vector.load %arg0[%get3A_51, %get3A_52] : memref<256x16xf32, #tpu.memory_space<vmem>>, vector<8x16xf32>
    %add3A_54 = arith.addf %add3A_50, %get3A_53 : vector<8x16xf32>
    %get3A_55 = arith.constant 112 : index
    %get3A_56 = arith.constant 0 : index
    %get3A_57 = vector.load %arg0[%get3A_55, %get3A_56] : memref<256x16xf32, #tpu.memory_space<vmem>>, vector<8x16xf32>
    %add3A_58 = arith.addf %add3A_54, %get3A_57 : vector<8x16xf32>
    %get3A_59 = arith.constant 120 : index
    %get3A_60 = arith.constant 0 : index
    %get3A_61 = vector.load %arg0[%get3A_59, %get3A_60] : memref<256x16xf32, #tpu.memory_space<vmem>>, vector<8x16xf32>
    %add3A_62 = arith.addf %add3A_58, %get3A_61 : vector<8x16xf32>
    %get3A_63 = arith.constant 128 : index
    %get3A_64 = arith.constant 0 : index
    %get3A_65 = vector.load %arg0[%get3A_63, %get3A_64] : memref<256x16xf32, #tpu.memory_space<vmem>>, vector<8x16xf32>
    %add3A_66 = arith.addf %add3A_62, %get3A_65 : vector<8x16xf32>
    %get3A_67 = arith.constant 136 : index
    %get3A_68 = arith.constant 0 : index
    %get3A_69 = vector.load %arg0[%get3A_67, %get3A_68] : memref<256x16xf32, #tpu.memory_space<vmem>>, vector<8x16xf32>
    %add3A_70 = arith.addf %add3A_66, %get3A_69 : vector<8x16xf32>
    %get3A_71 = arith.constant 144 : index
    %get3A_72 = arith.constant 0 : index
    %get3A_73 = vector.load %arg0[%get3A_71, %get3A_72] : memref<256x16xf32, #tpu.memory_space<vmem>>, vector<8x16xf32>
    %add3A_74 = arith.addf %add3A_70, %get3A_73 : vector<8x16xf32>
    %get3A_75 = arith.constant 152 : index
    %get3A_76 = arith.constant 0 : index
    %get3A_77 = vector.load %arg0[%get3A_75, %get3A_76] : memref<256x16xf32, #tpu.memory_space<vmem>>, vector<8x16xf32>
    %add3A_78 = arith.addf %add3A_74, %get3A_77 : vector<8x16xf32>
    %get3A_79 = arith.constant 160 : index
    %get3A_80 = arith.constant 0 : index
    %get3A_81 = vector.load %arg0[%get3A_79, %get3A_80] : memref<256x16xf32, #tpu.memory_space<vmem>>, vector<8x16xf32>
    %add3A_82 = arith.addf %add3A_78, %get3A_81 : vector<8x16xf32>
    %get3A_83 = arith.constant 168 : index
    %get3A_84 = arith.constant 0 : index
    %get3A_85 = vector.load %arg0[%get3A_83, %get3A_84] : memref<256x16xf32, #tpu.memory_space<vmem>>, vector<8x16xf32>
    %add3A_86 = arith.addf %add3A_82, %get3A_85 : vector<8x16xf32>
    %get3A_87 = arith.constant 176 : index
    %get3A_88 = arith.constant 0 : index
    %get3A_89 = vector.load %arg0[%get3A_87, %get3A_88] : memref<256x16xf32, #tpu.memory_space<vmem>>, vector<8x16xf32>
    %add3A_90 = arith.addf %add3A_86, %get3A_89 : vector<8x16xf32>
    %get3A_91 = arith.constant 184 : index
    %get3A_92 = arith.constant 0 : index
    %get3A_93 = vector.load %arg0[%get3A_91, %get3A_92] : memref<256x16xf32, #tpu.memory_space<vmem>>, vector<8x16xf32>
    %add3A_94 = arith.addf %add3A_90, %get3A_93 : vector<8x16xf32>
    %get3A_95 = arith.constant 192 : index
    %get3A_96 = arith.constant 0 : index
    %get3A_97 = vector.load %arg0[%get3A_95, %get3A_96] : memref<256x16xf32, #tpu.memory_space<vmem>>, vector<8x16xf32>
    %add3A_98 = arith.addf %add3A_94, %get3A_97 : vector<8x16xf32>
    %get3A_99 = arith.constant 200 : index
    %get3A_100 = arith.constant 0 : index
    %get3A_101 = vector.load %arg0[%get3A_99, %get3A_100] : memref<256x16xf32, #tpu.memory_space<vmem>>, vector<8x16xf32>
    %add3A_102 = arith.addf %add3A_98, %get3A_101 : vector<8x16xf32>
    %get3A_103 = arith.constant 208 : index
    %get3A_104 = arith.constant 0 : index
    %get3A_105 = vector.load %arg0[%get3A_103, %get3A_104] : memref<256x16xf32, #tpu.memory_space<vmem>>, vector<8x16xf32>
    %add3A_106 = arith.addf %add3A_102, %get3A_105 : vector<8x16xf32>
    %get3A_107 = arith.constant 216 : index
    %get3A_108 = arith.constant 0 : index
    %get3A_109 = vector.load %arg0[%get3A_107, %get3A_108] : memref<256x16xf32, #tpu.memory_space<vmem>>, vector<8x16xf32>
    %add3A_110 = arith.addf %add3A_106, %get3A_109 : vector<8x16xf32>
    %get3A_111 = arith.constant 224 : index
    %get3A_112 = arith.constant 0 : index
    %get3A_113 = vector.load %arg0[%get3A_111, %get3A_112] : memref<256x16xf32, #tpu.memory_space<vmem>>, vector<8x16xf32>
    %add3A_114 = arith.addf %add3A_110, %get3A_113 : vector<8x16xf32>
    %get3A_115 = arith.constant 232 : index
    %get3A_116 = arith.constant 0 : index
    %get3A_117 = vector.load %arg0[%get3A_115, %get3A_116] : memref<256x16xf32, #tpu.memory_space<vmem>>, vector<8x16xf32>
    %add3A_118 = arith.addf %add3A_114, %get3A_117 : vector<8x16xf32>
    %get3A_119 = arith.constant 240 : index
    %get3A_120 = arith.constant 0 : index
    %get3A_121 = vector.load %arg0[%get3A_119, %get3A_120] : memref<256x16xf32, #tpu.memory_space<vmem>>, vector<8x16xf32>
    %add3A_122 = arith.addf %add3A_118, %get3A_121 : vector<8x16xf32>
    %get3A_123 = arith.constant 248 : index
    %get3A_124 = arith.constant 0 : index
    %get3A_125 = vector.load %arg0[%get3A_123, %get3A_124] : memref<256x16xf32, #tpu.memory_space<vmem>>, vector<8x16xf32>
    %add3A_126 = arith.addf %add3A_122, %get3A_125 : vector<8x16xf32>
    %get3A_127 = arith.constant 0 : index
    %get3A_128 = arith.constant 0 : index
    %get3A_129 = vector.load %arg1[%get3A_127, %get3A_128] : memref<8x16xf32, #tpu.memory_space<vmem>>, vector<8x16xf32>
    %mul3A = arith.mulf %get3A_129, %add3A_126 : vector<8x16xf32>
    %reduce_sum3A = vector.shape_cast %mul3A : vector<8x16xf32> to vector<1x8x16xf32>
    %reduce_sum3A_130 = arith.constant dense<0.000000e+00> : vector<1xf32>
    %reduce_sum3A_131 = vector.multi_reduction <add>, %reduce_sum3A, %reduce_sum3A_130 [1, 2] : vector<1x8x16xf32> to vector<1xf32>
    %reduce_sum3A_132 = vector.shape_cast %reduce_sum3A_131 : vector<1xf32> to vector<1x1x1xf32>
    %reduce_sum3A_133 = vector.extract %reduce_sum3A_132[0, 0, 0] : f32 from vector<1x1x1xf32>
    %div3A = arith.constant 2.000000e+00 : f32
    %div3A_134 = arith.divf %reduce_sum3A_133, %div3A : f32
    %add3A_135 = arith.constant 9.99999974E-5 : f32
    %add3A_136 = arith.addf %div3A_134, %add3A_135 : f32
    %div3A_137 = vector.broadcast %add3A_136 : f32 to vector<8x16xf32>
    %div3A_138 = arith.divf %mul3A, %div3A_137 : vector<8x16xf32>
    %reduce_sum3A_139 = arith.constant dense<0.000000e+00> : vector<8xf32>
    %reduce_sum3A_140 = vector.multi_reduction <add>, %div3A_138, %reduce_sum3A_139 [1] : vector<8x16xf32> to vector<8xf32>
    %broadcast_in_dim3A_141 = vector.shape_cast %reduce_sum3A_140 : vector<8xf32> to vector<8x1xf32>
    %add3A_142 = arith.constant 9.99999974E-5 : f32
    %add3A_143 = vector.broadcast %add3A_142 : f32 to vector<8x1xf32>
    %add3A_144 = arith.addf %broadcast_in_dim3A_141, %add3A_143 : vector<8x1xf32>
    %reduce_sum3A_145 = arith.constant dense<0.000000e+00> : vector<16xf32>
    %reduce_sum3A_146 = vector.multi_reduction <add>, %div3A_138, %reduce_sum3A_145 [0] : vector<8x16xf32> to vector<16xf32>
    %broadcast_in_dim3A_147 = vector.shape_cast %reduce_sum3A_146 : vector<16xf32> to vector<1x16xf32>
    %add3A_148 = arith.constant 9.99999974E-5 : f32
    %add3A_149 = vector.broadcast %add3A_148 : f32 to vector<1x16xf32>
    %add3A_150 = arith.addf %broadcast_in_dim3A_147, %add3A_149 : vector<1x16xf32>
    %div3A_151 = vector.broadcast %add3A_144 : vector<8x1xf32> to vector<8x16xf32>
    %div3A_152 = arith.divf %div3A_138, %div3A_151 : vector<8x16xf32>
    %div3A_153 = vector.broadcast %add3A_150 : vector<1x16xf32> to vector<8x16xf32>
    %div3A_154 = arith.divf %div3A_152, %div3A_153 : vector<8x16xf32>
    %add3A_155 = arith.constant 9.99999974E-5 : f32
    %add3A_156 = vector.broadcast %add3A_155 : f32 to vector<8x16xf32>
    %add3A_157 = arith.addf %div3A_154, %add3A_156 : vector<8x16xf32>
    %log3A = math.log %add3A_157 : vector<8x16xf32>
    %mul3A_158 = arith.mulf %div3A_138, %log3A : vector<8x16xf32>
    %reduce_sum3A_159 = vector.shape_cast %mul3A_158 : vector<8x16xf32> to vector<1x8x16xf32>
    %reduce_sum3A_160 = arith.constant dense<0.000000e+00> : vector<1xf32>
    %reduce_sum3A_161 = vector.multi_reduction <add>, %reduce_sum3A_159, %reduce_sum3A_160 [1, 2] : vector<1x8x16xf32> to vector<1xf32>
    %reduce_sum3A_162 = vector.shape_cast %reduce_sum3A_161 : vector<1xf32> to vector<1x1x1xf32>
    %reduce_sum3A_163 = vector.extract %reduce_sum3A_162[0, 0, 0] : f32 from vector<1x1x1xf32>
    %neg3A = arith.constant 0.000000e+00 : f32
    %neg3A_164 = arith.subf %neg3A, %reduce_sum3A_163 : f32
    %mul3A_165 = arith.constant 0.00999999977 : f32
    %mul3A_166 = arith.mulf %mul3A_165, %neg3A_164 : f32
    %swap3A = arith.constant 0 : index
    %swap3A_167 = arith.constant 0 : index
    %swap3A_168 = memref.load %arg2[%swap3A, %swap3A_167] : memref<1x1xf32, #tpu.memory_space<smem>>
    memref.store %mul3A_166, %arg2[%swap3A, %swap3A_167] : memref<1x1xf32, #tpu.memory_space<smem>>
    return
  }
}

</mosaic_0001>

<sc_bundles>
// kernel: kernel.5.cloned.1.call-start
scs
__scs_entry_jumppad:
0x0: {  	(pc) =	sbr.rel $0x88, $3  }
0x1: {  	(tag) =	ssettag $0x0;
	lr =	simm.s32 $0x1  }
0x2: {  	[smem:$0x3F9F] =	sst lr;
	_ =	strace $0xD0000000  }
0x3: {  	_ = 	snop  }
0x4: {  	_ = 	snop  }
0x5: {  	_ = 	snop  }
0x6: {  	_ = 	snop  }
0x7: {  	_ = 	snop  }
__scs_overlays_trampoline_lowered:
0x8: {  	[smem:$0x3FAE] =	sst s0  }
0x9: {  	[smem:$0x3FAF] =	sst s1  }
0xa: {  	[smem:$0x3FB0] =	sst s2  }
0xb: {  	[smem:$0x3FB1] =	sst s3  }
0xc: {  	[smem:$0x3FB2] =	sst s4  }
0xd: {  	[smem:$0x3FB3] =	sst s5  }
0xe: {  	[smem:$0x3FB4] =	sst s6  }
0xf: {  	[smem:$0x3FB5] =	sst s7  }
0x10: {  	[smem:$0x3FB6] =	sst s8  }
0x11: {  	[smem:$0x3FB7] =	sst s9;
	s0 =	simm.s32 @!p0 $0x0  }
0x12: {  	s1 =	sld [smem:$0x3F9D];
	s0 =	simm.s32 @p0 $0x1  }
0x13: {  	[smem:$0x3FB8] =	sst s0;
	s0 =	simm.s32 @!p1 $0x0  }
0x14: {  	s2 =	sld [smem:$0x3F9C];
	s0 =	simm.s32 @p1 $0x1  }
0x15: {  	[smem:$0x3FB9] =	sst s0;
	s0 =	simm.s32 @!p2 $0x0  }
0x16: {  	s3 =	sld [smem:$0x3FDB];
	s0 =	simm.s32 @p2 $0x1  }
0x17: {  	s4 =	simm.s32 $0x1BF5;
	[smem:$0x3FBB] =	sst s0  }
0x18: {  	s0 =	sld [smem:$0x3F9E];
	_ =	swait.ge [sflag:s4], $0x0  }
0x19: {  	s7 =	sld [smem:$0x3F9F]  }
0x1a: {  	s8 =	sadd.s32 $0xFFFFE003, lr  }
0x1b: {  	s9 =	sadd.s32 $0xFFFFFEF7, lr;
	s5 =	simm.s32 $0xFFFFFFFF;
	p2 =	slt.u32 s8, $0xFFFFF086  }
0x1c: {  	p1 =	slt.u32 s9, $0xF7A;
	s5 =	simm.s32 @!p2 $0x0  }
0x1d: {  	s5 =	simm.s32 @p1 $0x1;
	p0 =	seq.s32 s7, s2  }
0x1e: {  	s7 =	smul.u32 @!p0 $0xF7A, s2;
	p2 =	seq.s32 @!p0 s5, $0x0  }
0x1f: {  	s9 =	smul.u32 $0xF7A, s1;
	s8 =	simm.s32 @!p0 $0x1BF5;
	p2 =	por !p2, p0  }
0x20: {  	[sflag:s8] =	ssyncset.s32 @!p0 $0xFFFFF086;
	s6 =	sadd.s32 @!p0 s3, s7;
	s7 =	simm.s32 @!p0 $0x108  }
0x21: {  	s3 =	sadd.s32 s3, s9;
	s6 =	sadd.s32 @!p0 $0x88, s6;
	s7 =	simm.s32 @p2 $0x1082  }
0x22: {  	[simem:s7], [sflag:s8] =	dma.local @!p0 [hbm:s6], $0xF7A  }
0x23: {  	s9 =	sor.u32 $0xD0000000, s2;
	s6 =	simm.s32 $0x108;
	_ =	swait.ge @!p0 [sflag:s8], $0x0  }
0x24: {  	s3 =	sadd.s32 $0x88, s3;
	s6 =	simm.s32 @!p1 $0x1082;
	[sflag:s4] =	ssyncset.s32 $0xFFFFF086  }
0x25: {  	[simem:s6], [sflag:s4] =	dma.local [hbm:s3], $0xF7A  }
0x26: {  	[smem:$0x3F9F] =	sst s1;
	(tag) =	ssettag s2;
	_ =	strace s9  }
0x27: {  	s1 =	sld [smem:$0x3FAF]  }
0x28: {  	s2 =	sld [smem:$0x3FB0]  }
0x29: {  	s4 =	sld [smem:$0x3FB2]  }
0x2a: {  	p0 =	seq.s32 s5, $0x0;
	s5 =	sld [smem:$0x3FB3]  }
0x2b: {  	s6 =	sld [smem:$0x3FB4]  }
0x2c: {  	s7 =	sld [smem:$0x3FB5]  }
0x2d: {  	s3 =	simm.s32 $0x108;
	s8 =	sld [smem:$0x3FB6]  }
0x2e: {  	s3 =	simm.s32 @!p0 $0x1082;
	s9 =	sld [smem:$0x3FB7]  }
0x2f: {  	lr =	sadd.s32 s0, s3;
	s0 =	sld [smem:$0x3FAE]  }
0x30: {  	s3 =	sld [smem:$0x3FB1]  }
0x31: {  	[smem:$0x3FBA] =	sst s10  }
0x32: {  	s10 =	sld [smem:$0x3FB8];
	_ =	sdelay $0x3  }
0x33: {  	p0 =	seq.s32 s10, $0x1;
	s10 =	sld [smem:$0x3FBA];
	_ =	sdelay $0x3  }
0x34: {  	[smem:$0x3FBA] =	sst s10  }
0x35: {  	s10 =	sld [smem:$0x3FB9];
	_ =	sdelay $0x3  }
0x36: {  	p1 =	seq.s32 s10, $0x1;
	s10 =	sld [smem:$0x3FBA];
	_ =	sdelay $0x3  }
0x37: {  	[smem:$0x3FBA] =	sst s10  }
0x38: {  	s10 =	sld [smem:$0x3FBB]  }
0x39: {  	_ = 	snop;
	(pc) =	sbr.ind lr, $3  }
0x3a: {  	_ = 	snop  }
0x3b: {  	_ = 	snop  }
0x3c: {  	p2 =	seq.s32 s10, $0x1;
	s10 =	sld [smem:$0x3FBA]  }
0x3d: {  	_ =	shalt  }
0x3e: {  	_ =	shalt  }
0x3f: {  	_ =	shalt  }
0x40: {  	_ =	shalt  }
0x41: {  	_ =	shalt  }
0x42: {  	_ =	shalt  }
0x43: {  	_ =	shalt  }
0x44: {  	_ =	shalt  }
0x45: {  	_ =	shalt  }
0x46: {  	_ =	shalt  }
0x47: {  	_ =	shalt  }
0x48: {  	_ =	shalt  }
0x49: {  	_ =	shalt  }
0x4a: {  	_ =	shalt  }
0x4b: {  	_ =	shalt  }
0x4c: {  	_ =	shalt  }
0x4d: {  	_ =	shalt  }
0x4e: {  	_ =	shalt  }
0x4f: {  	_ =	shalt  }
0x50: {  	_ =	shalt  }
0x51: {  	_ =	shalt  }
0x52: {  	_ =	shalt  }
0x53: {  	_ =	shalt  }
0x54: {  	_ =	shalt  }
0x55: {  	_ =	shalt  }
0x56: {  	_ =	shalt  }
0x57: {  	_ =	shalt  }
0x58: {  	_ =	shalt  }
0x59: {  	_ =	shalt  }
0x5a: {  	_ =	shalt  }
0x5b: {  	_ =	shalt  }
0x5c: {  	_ =	shalt  }
0x5d: {  	_ =	shalt  }
0x5e: {  	_ =	shalt  }
0x5f: {  	_ =	shalt  }
0x60: {  	_ =	shalt  }
0x61: {  	_ =	shalt  }
0x62: {  	_ =	shalt  }
0x63: {  	_ =	shalt  }
0x64: {  	_ =	shalt  }
0x65: {  	_ =	shalt  }
0x66: {  	_ =	shalt  }
0x67: {  	_ =	shalt  }
0x68: {  	_ =	shalt  }
0x69: {  	_ =	shalt  }
0x6a: {  	_ =	shalt  }
0x6b: {  	_ =	shalt  }
0x6c: {  	_ =	shalt  }
0x6d: {  	_ =	shalt  }
0x6e: {  	_ =	shalt  }
0x6f: {  	_ =	shalt  }
0x70: {  	_ =	shalt  }
0x71: {  	_ =	shalt  }
0x72: {  	_ =	shalt  }
0x73: {  	_ =	shalt  }
0x74: {  	_ =	shalt  }
0x75: {  	_ =	shalt  }
0x76: {  	_ =	shalt  }
0x77: {  	_ =	shalt  }
0x78: {  	_ =	shalt  }
0x79: {  	_ =	shalt  }
0x7a: {  	_ =	shalt  }
0x7b: {  	_ =	shalt  }
0x7c: {  	_ =	shalt  }
0x7d: {  	_ =	shalt  }
0x7e: {  	_ =	shalt  }
0x7f: {  	_ =	shalt  }
0x80: {  	_ =	shalt  }
0x81: {  	_ =	shalt  }
0x82: {  	_ =	shalt  }
0x83: {  	_ =	shalt  }
0x84: {  	_ =	shalt  }
0x85: {  	_ =	shalt  }
0x86: {  	_ =	shalt  }
0x87: {  	_ =	shalt  }
.Lfunc_end0:
.L_simem_size_0:
called_computation_lowered:
.L_overlay_start_0:
0x88: {  	s2 =	sld [smem:$0x3FD9]  }
0x89: {  	s3 =	sld [smem:$0x3FFE];
	_ =	sdelay $0x1  }
0x8a: {  	s1 =	srdreg.scid  }
0x8b: {  	s0 =	sand.u32 $0x1, s1  }
0x8c: {  	s17 =	sshll.u32 s0, $0xA;
	s2 =	sadd.s32 s3, s2  }
0x8d: {  	s2 =	sadd.s32 s2, s17  }
0x8e: {  	[smem:$0x3FC6] =	sst s2  }
0x8f: {  	_ = 	snop  }
0x90: {  	s2 =	sld [smem:$0x3FC9]  }
0x91: {  	s18 =	sld [smem:$0x3FC8];
	(tm) =	ssettm $0x1  }
0x92: {  	s4 =	sld [smem:$0x3FFB];
	_ =	sdelay $0x3  }
0x93: {  	_ =	strace s4  }
0x94: {  	s4 =	sld [smem:$0x3FFC];
	_ =	sdelay $0x3  }
0x95: {  	_ =	strace s4  }
0x96: {  	s4 =	sld [smem:$0x3FFD];
	_ =	sdelay $0x3  }
0x97: {  	_ =	strace s4  }
0x98: {  	_ =	strace $0x8FFFFFFF  }
0x99: {  	s19 =	sld [smem:$0x3FDB];
	_ =	sdelay $0x1  }
0x9a: {  	s5 =	simm.s32 $_scs_section_size  }
0x9b: {  	s6 =	simm.s32 $_size__tile_overlayer_lowered;
	s7 =	simm.s32 $_tile_overlayer_lowered  }
0x9c: {  	s22 =	simm.s32 $0x1BFF;
	s21 =	sshll.u32 s7, $0x1;
	s4 =	sadd.s32 s5, s19  }
0x9d: {  	s8 =	simm.s32 $0x0;
	s20 =	sshll.u32 s6, $0x1;
	s6 =	sadd.s32 s21, s4  }
0x9e: {  	[timem:s8], [sflag:s22] =	dma.local [hbm:s6], s20  }
0x9f: {  	_ =	swait.ge [sflag:s22], s20  }
0xa0: {  	s5 =	ssub.s32 $0x0, s20;
	[sflag:s22] =	ssyncset.done $0x0  }
0xa1: {  	[sflag:s22] =	ssyncadd.s32 s5;
	_ =	sdelay $0x1  }
0xa2: {  	s23 =	simm.s32 $0x1B8B  }
0xa3: {  	_ =	swait.ge [sflag:s23], $0x1  }
0xa4: {  	[sflag:s23] =	ssyncset.done $0x0  }
0xa5: {  	s25 =	simm.s32 $0x1B8E;
	s24 =	sld [smem:$0x3FFE];
	[sflag:s23] =	ssyncadd.s32 $0xFFFFFFFF  }
0xa6: {  	s26 =	simm.s32 $execute0_lowered;
	[smem:$0x3FD2] =	sst s25  }
0xa7: {  	s6 =	sshll.u32 s26, $0x1;
	_ =	strace $0x80000046;
	[dreg:$0x1] =	wrdreg $0xFFFFFFFF  }
0xa8: {  	s28 =	simm.s32 $_size_execute0_lowered;
	s4 =	sadd.s32 s4, s6;
	[dreg:$0x0] =	wrdreg $0x0  }
0xa9: {  	s6 =	sshll.u32 s28, $0x1;
	[dreg:$0x2] =	wrdreg s4  }
0xaa: {  	[dreg:$0x3] =	wrdreg s6  }
0xab: {  	[dreg:$0x4] =	wrdreg $0xC0  }
0xac: {  	_ =	task [dreg:s8], $0x5FFFF  }
0xad: {  	[dreg:$0x1] =	wrdreg $0xFFFFFFFF  }
0xae: {  	[dreg:$0x0] =	wrdreg $0x60  }
0xaf: {  	[dreg:$0x2] =	wrdreg s2  }
0xb0: {  	[dreg:$0x3] =	wrdreg s18  }
0xb1: {  	[dreg:$0x4] =	wrdreg s24  }
0xb2: {  	[dreg:$0x5] =	wrdreg $0x9  }
0xb3: {  	_ =	task.clear_ibuf [dreg:s8], $0x6FFFF;
	_ =	strace $0x90000046  }
0xb4: {  	s29 =	simm.s32 $0x9;
	_ =	strace $0x80000048  }
0xb5: {  	_ =	swait.ge [sflag:s29], $0x1  }
0xb6: {  	[sflag:s29] =	ssyncadd.s32 $0xFFFFFFFF  }
0xb7: {  	_ =	strace $0x90000048  }
0xb8: {  	_ =	sfence  }
0xb9: {  	s30 =	sld [smem:$0x0];
	_ =	sdelay $0x2  }
0xba: {  	s31 =	sshll.u32 s1, $0xD;
	s1 =	sshrl.u32 s1, $0x2  }
0xbb: {  	s3 =	sand.u32 $0x4000, s31;
	s1 =	sadd.s32 s1, s30  }
0xbc: {  	s0 =	sor.u32 s3, s0;
	s1 =	sshll.u32 s1, $0x11  }
0xbd: {  	s0 =	sor.u32 s1, s0  }
0xbe: {  	s0 =	sadd.s32 $0x8F2B, s0  }
0xbf: {  	[sflag:s0] =	ssyncadd.remote.s32 $0x1  }
0xc0: {  	_ =	sfence.sel $0xFFFF  }
0xc1: {  	[dreg:$0x0] =	wrdreg $0xFFFFFFFF;
	(pc) =	sbr.abs _section_cstart, $3  }
0xc2: {  	[dreg:$0x1] =	wrdreg $0xFFFFFFFF  }
0xc3: {  	_ =	task.clear_ibuf [dreg:s8], $0x2FFFF;
	_ =	strace $0x9FFFFFFF  }
0xc4: {  	(tm) =	ssettm $0x7FFFFFFF  }
0xc5: {  	_ =	shalt  }
tec
execute0_lowered:
.L_overlay_start_1:
0x0: {  	(tag) =	ssettag $0x1  }
0x1: {  	s3 =	rddreg [dreg:$0x0]  }
0x2: {  	s4 =	rddreg [dreg:$0x1]  }
0x3: {  	v0 =	vlaneseq.u32;
	s5 =	rddreg [dreg:$0x2];
	s2 =	simm.s32 $0x0  }
0x4: {  	s1 =	srdreg.scid;
	[smem:$0x7FF] =	sst s2;
	v16 =	vor.u32 $0x110, v0  }
0x5: {  	s6 =	sand.u32 $0x1, s1;
	s1 =	rddreg [dreg:$0x3];
	v47 =	vor.u32 $0x220, v0;
	_ =	strace $0x80000047;
	[tilespmem:$0x1FF50] =	vst v16  }
0x6: {  	v48 =	vor.u32 $0x330, v0;
	[tilespmem:$0x1FF60] =	vst v47  }
0x7: {  	v49 =	vor.u32 $0x440, v0;
	[tilespmem:$0x1FF70] =	vst v48  }
0x8: {  	s0 =	stileid.u32;
	v50 =	vor.u32 $0x550, v0;
	[tilespmem:$0x1FF80] =	vst v49  }
0x9: {  	s9 =	simm.s32 $0x1000;
	s10 =	simm.s32 $0x1;
	s11 =	simm.s32 $0x1100;
	v59 =	vmul.u32 $0x11, v0;
	v51 =	vor.u32 $0x660, v0;
	[tilespmem:$0x1FF90] =	vst v50  }
0xa: {  	v17 =	vimm.f32 $0.0e+00;
	s12 =	simm.s32 $0x1980;
	s13 =	simm.s32 $0x2;
	s7 =	sshll.u32 s0, $0x1;
	v52 =	vor.u32 $0x770, v0;
	[tilespmem:$0x1FFA0] =	vst v51  }
0xb: {  	s14 =	simm.s32 $0x0;
	s7 =	sor.u32 s6, s7;
	s6 =	ssub.s32 $0x2, s6;
	[tilespmem:$0x1FFB0] =	vst v52;
	v2 =	vadd.s32 $0x1, v59;
	v10 =	vadd.s32 $0x2, v59;
	v21 =	vadd.s32 $0x8, v59  }
0xc: {  	s8 =	sshll.u32 s7, $0x7;
	v11 =	vadd.s32 $0x3, v59;
	v12 =	vadd.s32 $0x4, v59;
	s30 =	sshrl.u32 s6, $0x1;
	s31 =	sshll.u32 s7, $0x8;
	v22 =	vadd.s32 $0x9, v59;
	[tilespmem:$0x1FFC0] =	vst v21  }
0xd: {  	v18 =	vadd.s32 $0x5, v59;
	v19 =	vadd.s32 $0x6, v59;
	s7 =	sshll.u32 s7, $0x5;
	v23 =	vadd.s32 $0xA, v59;
	s5 =	sadd.s32 s8, s5;
	s6 =	ssub.s32 s6, s30;
	[tilespmem:$0x1FFD0] =	vst v22  }
0xe: {  	v20 =	vadd.s32 $0x7, v59;
	v24 =	vadd.s32 $0xB, v59;
	v13 =	vadd.s32 $0xC, v59;
	s3 =	sadd.s32 s3, s31;
	s4 =	sadd.s32 s4, s7;
	s7 =	simm.s32 $0x800;
	[tilespmem:$0x1FFE0] =	vst v23  }
0xf: {  	v61 =	vadd.s32 $0xD, v59;
	v14 =	vadd.s32 $0xE, v59;
	v15 =	vadd.s32 $0xF, v59;
	s8 =	simm.s32 $0x10000;
	[tilespmem:$0x1FFF0] =	vst v24;
	s5 =	sadd.s32 $0x800, s5;
	s6 =	smax.u32 s6, $0x1  }
.LBB2_1:
0x10: {  	[tilespmem:s2], [sflag:$0x1] =	stream.strided.gather [hbm4b:s3+s7], $0x1000, s8, s7, $0x38;
	[tilespmem:$0x1D80] =	vst v63  }
0x11: {  	s15 =	simm.s32 $0x1140  }
0x12: {  	[tilespmem:s9], [sflag:$0x1] =	stream.linear.gather [hbm4b:s4+s2], $0x100, $0x38;
	[tilespmem:$0x1D80] =	vst v63  }
0x13: {  	[tilespmem:s15+$0xFFFFFFC0] =	vst v17  }
0x14: {  	[tilespmem:s15+$0x30] =	vst v17  }
0x15: {  	[tilespmem:s15+$0x20] =	vst v17  }
0x16: {  	[tilespmem:s15+$0x10] =	vst v17  }
0x17: {  	[tilespmem:s15+$0x0] =	vst v17  }
0x18: {  	v24 =	vmov v20;
	v23 =	vmov v19;
	[tilespmem:s15+$0xFFFFFFF0] =	vst v17  }
0x19: {  	v22 =	vmovc v18;
	v21 =	vmovc v12;
	v20 =	vmov v11;
	v19 =	vmov v10;
	v18 =	vmov v2;
	s16 =	simm.s32 $0x0;
	[tilespmem:s15+$0xFFFFFFE0] =	vst v17  }
.LBB2_2:
0x1a: {  	s16 =	sadd.s32 $0x8, s16;
	[tilespmem:s15+$0xFFFFFFD0] =	vst v17;
	s15 =	sadd.s32 $0x80, s15  }
0x1b: {  	[tilespmem:s15+$0xFFFFFFC0] =	vst v17;
	p0 =	slt.u32 s16, $0x80  }
0x1c: {  	[tilespmem:s15+$0x30] =	vst v17  }
.Ltmp0:
0x1d: {  	[tilespmem:s15+$0x20] =	vst v17;
	(pc) =	sbr.rel @p0 .LBB2_2-.Ltmp0, $4  }
0x1e: {  	[tilespmem:s15+$0x10] =	vst v17  }
0x1f: {  	[tilespmem:s15+$0x0] =	vst v17  }
0x20: {  	[tilespmem:s15+$0xFFFFFFF0] =	vst v17  }
0x21: {  	[tilespmem:s15+$0xFFFFFFE0] =	vst v17  }
0x22: {  	[tilespmem:s15+$0xFFFFFFD0] =	vst v17  }
0x23: {  	_ =	swait.ge [sflag:s10], $0x1000  }
0x24: {  	[sflag:s10] =	ssyncset.done $0x0  }
0x25: {  	[sflag:s10] =	ssyncadd.s32 $0xFFFFF000  }
0x26: {  	s15 =	simm.s32 $0x0;
	_ =	swait.ge [sflag:s10], $0x100  }
0x27: {  	s16 =	sand.u32 $0x70, s15;
	s17 =	sand.u32 $0x400, s15;
	[sflag:s10] =	ssyncset.done $0x0  }
0x28: {  	s16 =	sor.u32 s16, s17;
	[sflag:s10] =	ssyncadd.s32 $0xFFFFFF00  }
0x29: {  	v25 =	vld [tilespmem:s16+$0xA00]  }
0x2a: {  	v26 =	vld [tilespmem:s16+$0x980]  }
0x2b: {  	v27 =	vld [tilespmem:s16+$0xB00]  }
0x2c: {  	v28 =	vld [tilespmem:s16+$0xB80]  }
0x2d: {  	v29 =	vld [tilespmem:s16+$0xA80]  }
0x2e: {  	v30 =	vld [tilespmem:s16+$0x280]  }
0x2f: {  	v31 =	vld [tilespmem:s16+$0x180];
	v25 =	vmul.f32 $1.442695020e+00, v25  }
0x30: {  	v32 =	vld [tilespmem:s16+$0x100];
	v26 =	vmul.f32 $1.442695020e+00, v26;
	v27 =	vmul.f32 $1.442695020e+00, v27  }
0x31: {  	(erf) = vpow2.f32 v25;
	v25 =	vmul.f32 $1.442695020e+00, v28;
	v28 =	vld [tilespmem:s16+$0x300]  }
0x32: {  	v29 =	vmul.f32 $1.442695020e+00, v29;
	(erf) = vpow2.f32 v26;
	v26 =	vld [tilespmem:s16+$0x880]  }
0x33: {  	v30 =	vmul.f32 $1.442695020e+00, v30;
	(erf) = vpow2.f32 v27;
	v27 =	vld [tilespmem:s16+$0x200]  }
0x34: {  	v31 =	vmul.f32 $1.442695020e+00, v31;
	(erf) = vpow2.f32 v25;
	v25 =	vld [tilespmem:s16+$0x900]  }
0x35: {  	v32 =	vmul.f32 $1.442695020e+00, v32;
	(erf) = vpow2.f32 v29;
	v29 =	vld [tilespmem:s16+$0x800]  }
0x36: {  	(erf) = vpow2.f32 v30;
	v28 =	vmul.f32 $1.442695020e+00, v28  }
0x37: {  	v30 =	vld [tilespmem:s16+$0x80];
	(erf) = vpow2.f32 v31;
	v26 =	vmul.f32 $1.442695020e+00, v26  }
0x38: {  	v31 =	vld [tilespmem:s16+$0x0];
	(erf) = vpow2.f32 v32;
	v63 =	vmul.f32 $1.442695020e+00, v27  }
0x39: {  	v33 =	vld [tilespmem:s16+$0x380];
	(erf) = vpow2.f32 v28;
	v34 =	vmul.f32 $1.442695020e+00, v25  }
0x3a: {  	v27 =	vpop (erf);
	(erf) = vpow2.f32 v26;
	v29 =	vmul.f32 $1.442695020e+00, v29  }
0x3b: {  	v28 =	vpop (erf);
	(erf) = vpow2.f32 v63  }
0x3c: {  	v30 =	vmul.f32 $1.442695020e+00, v30;
	v25 =	vpop (erf);
	(erf) = vpow2.f32 v34  }
0x3d: {  	v31 =	vmul.f32 $1.442695020e+00, v31;
	v26 =	vpop (erf);
	(erf) = vpow2.f32 v29  }
0x3e: {  	v33 =	vmul.f32 $1.442695020e+00, v33;
	v29 =	vpop (erf);
	(erf) = vpow2.f32 v30  }
0x3f: {  	v32 =	vpop (erf);
	(erf) = vpow2.f32 v31  }
0x40: {  	s29 =	simm.s32 $0x10;
	s30 =	simm.s32 $0x80;
	v44 =	vpop (erf);
	(erf) = vpow2.f32 v33  }
0x41: {  	s17 =	sand.u32 $0x400, s30;
	s16 =	sand.u32 $0x70, s29;
	v45 =	vpop (erf)  }
0x42: {  	s16 =	sor.u32 s16, s17;
	v33 =	vpop (erf)  }
0x43: {  	v35 =	vld [tilespmem:s16+$0xA00];
	v30 =	vpop (erf)  }
0x44: {  	v38 =	vld [tilespmem:s16+$0x980];
	v50 =	vpop (erf)  }
0x45: {  	v39 =	vld [tilespmem:s16+$0xB00];
	v31 =	vpop (erf)  }
0x46: {  	v42 =	vld [tilespmem:s16+$0xB80];
	v34 =	vpop (erf)  }
0x47: {  	v37 =	vadd.f32 v26, v25;
	v53 =	vadd.f32 v29, v27;
	v46 =	vpop (erf)  }
0x48: {  	v49 =	vld [tilespmem:s16+$0xA80];
	v35 =	vmul.f32 $1.442695020e+00, v35;
	v48 =	vadd.f32 v44, v45;
	v41 =	vadd.f32 v32, v50;
	v47 =	vpop (erf)  }
0x49: {  	v38 =	vmul.f32 $1.442695020e+00, v38;
	v40 =	vadd.f32 v28, v31;
	v43 =	vadd.f32 v30, v34;
	v36 =	vpop (erf)  }
0x4a: {  	v0 =	vld [tilespmem:s16+$0x280];
	v39 =	vmul.f32 $1.442695020e+00, v39;
	v51 =	vadd.f32 v46, v47;
	v52 =	vadd.f32 v36, v33  }
0x4b: {  	v1 =	vld [tilespmem:s16+$0x180];
	v42 =	vmul.f32 $1.442695020e+00, v42;
	v37 =	vadd.f32 v37, v53;
	v40 =	vadd.f32 v40, v43  }
0x4c: {  	v3 =	vld [tilespmem:s16+$0x300];
	(erf) = vpow2.f32 v35;
	v48 =	vadd.f32 v48, v51;
	v41 =	vadd.f32 v52, v41  }
0x4d: {  	v2 =	vld [tilespmem:s16+$0x100];
	v4 =	vmul.f32 $1.442695020e+00, v49;
	(erf) = vpow2.f32 v38  }
0x4e: {  	v6 =	vld [tilespmem:s16+$0x200];
	(erf) = vpow2.f32 v39;
	v37 =	vadd.f32 v37, v40;
	v41 =	vadd.f32 v41, v48  }
0x4f: {  	v5 =	vld [tilespmem:s16+$0x880];
	(erf) = vpow2.f32 v42;
	v43 =	vmul.f32 $1.442695020e+00, v0  }
0x50: {  	v9 =	vld [tilespmem:s16+$0x800];
	v8 =	vmul.f32 $1.442695020e+00, v1;
	(erf) = vpow2.f32 v4;
	v37 =	vadd.f32 v37, v41  }
0x51: {  	s31 =	simm.s32 $0x1000;
	v7 =	vld [tilespmem:s16+$0x900];
	v11 =	vmul.f32 $1.442695020e+00, v3;
	(erf) = vpow2.f32 v43  }
0x52: {  	v58 =	vld [tilespmem:s31+$0x0];
	v35 =	vmul.f32 $1.442695020e+00, v2;
	(erf) = vrcp.f32 v37  }
0x53: {  	v10 =	vld [tilespmem:s16+$0x80];
	v55 =	vmul.f32 $1.442695020e+00, v6;
	(erf) = vpow2.f32 v8  }
0x54: {  	v54 =	vld [tilespmem:s16+$0x0];
	v39 =	vmul.f32 $1.442695020e+00, v5;
	(erf) = vpow2.f32 v35  }
0x55: {  	v56 =	vld [tilespmem:s16+$0x380];
	v43 =	vmul.f32 $1.442695020e+00, v9;
	v38 =	vpop (erf);
	(erf) = vpow2.f32 v11  }
0x56: {  	v57 =	vmul.f32 $1.442695020e+00, v7;
	v41 =	vpop (erf);
	(erf) = vpow2.f32 v39  }
0x57: {  	v40 =	vpop (erf);
	(erf) = vpow2.f32 v55  }
0x58: {  	v60 =	vmul.f32 $1.442695020e+00, v10;
	v42 =	vpop (erf);
	(erf) = vpow2.f32 v57  }
0x59: {  	v62 =	vmul.f32 $1.442695020e+00, v54;
	v39 =	vmul.u32 $0x110, v58;
	(erf) = vpow2.f32 v43;
	v43 =	vpop (erf)  }
0x5a: {  	v63 =	vmul.f32 $1.442695020e+00, v56;
	(erf) = vpow2.f32 v60;
	v51 =	vpop (erf)  }
0x5b: {  	v58 =	vadd.s32 v59, v39;
	(erf) = vpow2.f32 v62;
	v49 =	vpop (erf)  }
0x5c: {  	v35 =	vpop (erf);
	(erf) = vpow2.f32 v63;
	v53 =	vmul.f32 v49, v47  }
0x5d: {  	v48 =	vmul.f32 v49, v46;
	v46 =	vmul.f32 v49, v45;
	v37 =	vpop (erf)  }
0x5e: {  	s20 =	simm.s32 $0x20;
	s17 =	simm.s32 $0x100;
	s16 =	simm.s32 $0x1010;
	v57 =	vadd.f32 v42, v40;
	v47 =	vmul.f32 v49, v44;
	v45 =	vmul.f32 v49, v50;
	v52 =	vpop (erf)  }
.LBB2_4:
0x5f: {  	v2 =	vmul.f32 v49, v33  }
0x60: {  	s19 =	sand.u32 $0x70, s20;
	s21 =	sand.u32 $0x400, s17;
	v16 =	vmul.f32 v49, v36;
	v62 =	vmul.f32 v49, v34;
	[tilespmem:v58+s11+$0x0] =	vst.idx.add.f32.msk $0xffff, v53  }
0x61: {  	v0 =	vmul.f32 v49, v30;
	v56 =	vmul.f32 v49, v28;
	s19 =	sor.u32 s19, s21;
	v60 =	vld [tilespmem:s16+$0x0]  }
0x62: {  	v55 =	vmul.f32 v49, v29;
	v54 =	vmul.f32 v49, v25;
	v63 =	vld [tilespmem:s19+$0xB80]  }
0x63: {  	v50 =	vpop (erf);
	v58 =	vmul.f32 v49, v32;
	v32 =	vmov v51;
	v51 =	vmul.f32 v49, v31;
	v1 =	vld [tilespmem:s19+$0xB00]  }
0x64: {  	v53 =	vmul.f32 v49, v27;
	v44 =	vpop (erf);
	v30 =	vmov v50;
	v50 =	vmul.f32 v49, v26;
	v49 =	vld [tilespmem:s19+$0xA00]  }
0x65: {  	v33 =	vmov v52;
	v3 =	vld [tilespmem:s19+$0x900];
	v31 =	vpop (erf)  }
0x66: {  	v29 =	vadd.f32 v43, v38;
	v7 =	vadd.f32 v35, v37;
	v28 =	vmov v41;
	v5 =	vld [tilespmem:s19+$0x980];
	v34 =	vpop (erf)  }
0x67: {  	v27 =	vmov v38;
	v38 =	vld [tilespmem:s19+$0x0];
	v9 =	vadd.f32 v41, v31;
	v12 =	vadd.f32 v30, v34;
	v52 =	vpop (erf)  }
0x68: {  	v25 =	vmov v40;
	v26 =	vmov v42;
	v4 =	vadd.f32 v32, v44;
	v41 =	vld [tilespmem:s19+$0x100];
	v6 =	vpop (erf)  }
0x69: {  	v42 =	vmul.f32 $1.442695020e+00, v49;
	v40 =	vmul.f32 $1.442695020e+00, v63;
	v63 =	vld [tilespmem:s19+$0x80];
	v8 =	vadd.f32 v9, v12;
	v36 =	vpop (erf)  }
0x6a: {  	v9 =	vld [tilespmem:s19+$0xA80];
	v10 =	vadd.f32 v52, v6;
	v11 =	vadd.f32 v36, v33  }
0x6b: {  	v57 =	vadd.f32 v57, v29;
	(erf) = vpow2.f32 v42;
	v42 =	vld [tilespmem:s19+$0x800]  }
0x6c: {  	v29 =	vmovc v43;
	v43 =	vadd.s32 v18, v39;
	v7 =	vadd.f32 v7, v10;
	v10 =	vld [tilespmem:s19+$0x880];
	v4 =	vadd.f32 v11, v4  }
0x6d: {  	v49 =	vadd.s32 v19, v39;
	v11 =	vld [tilespmem:s19+$0x280]  }
0x6e: {  	v5 =	vmul.f32 $1.442695020e+00, v5;
	v4 =	vadd.f32 v4, v7;
	v7 =	vadd.f32 v57, v8;
	v8 =	vld [tilespmem:s19+$0x200]  }
0x6f: {  	v1 =	vmul.f32 $1.442695020e+00, v1;
	v57 =	vld [tilespmem:s19+$0x180]  }
0x70: {  	(erf) = vpow2.f32 v5;
	v5 =	vadd.s32 v20, v39;
	v4 =	vadd.f32 v7, v4;
	v7 =	vld [tilespmem:s19+$0x300]  }
0x71: {  	[tilespmem:v43+s11+$0x0] =	vst.idx.add.f32.msk $0xffff, v48  }
0x72: {  	(erf) = vpow2.f32 v1;
	v1 =	vadd.s32 v21, v39;
	[tilespmem:v49+s11+$0x0] =	vst.idx.add.f32.msk $0xffff, v46  }
0x73: {  	v46 =	vld [tilespmem:$0x1FFC0]  }
0x74: {  	v12 =	vadd.s32 v22, v39;
	v49 =	vld [tilespmem:$0x1FFE0]  }
0x75: {  	[tilespmem:v5+s11+$0x0] =	vst.idx.add.f32.msk $0xffff, v47  }
0x76: {  	v47 =	vld [tilespmem:$0x1FFD0]  }
0x77: {  	[tilespmem:v1+s11+$0x0] =	vst.idx.add.f32.msk $0xffff, v45  }
0x78: {  	v9 =	vmul.f32 $1.442695020e+00, v9;
	v48 =	vld [tilespmem:s19+$0x380]  }
0x79: {  	v60 =	vmul.u32 $0x110, v60;
	(erf) = vpow2.f32 v40;
	v11 =	vmul.f32 $1.442695020e+00, v11;
	[tilespmem:v12+s11+$0x0] =	vst.idx.add.f32.msk $0xffff, v58  }
0x7a: {  	v41 =	vmul.f32 $1.442695020e+00, v41;
	v40 =	vadd.s32 v23, v39;
	(erf) = vpow2.f32 v9;
	v12 =	vld [tilespmem:$0x1FFF0]  }
0x7b: {  	v9 =	vadd.s32 v24, v39;
	v57 =	vmul.f32 $1.442695020e+00, v57;
	(erf) = vpow2.f32 v11  }
0x7c: {  	v10 =	vmul.f32 $1.442695020e+00, v10;
	(erf) = vrcp.f32 v4;
	v5 =	vadd.s32 v46, v39  }
0x7d: {  	v7 =	vmul.f32 $1.442695020e+00, v7;
	(erf) = vpow2.f32 v57;
	v1 =	vadd.s32 v47, v39  }
0x7e: {  	v4 =	vmul.f32 $1.442695020e+00, v8;
	v57 =	vadd.s32 v49, v39;
	(erf) = vpow2.f32 v41  }
0x7f: {  	[tilespmem:v40+s11+$0x0] =	vst.idx.add.f32.msk $0xffff, v2;
	v46 =	vmul.f32 $1.442695020e+00, v38;
	v38 =	vpop (erf);
	(erf) = vpow2.f32 v7;
	v12 =	vadd.s32 v12, v39  }
0x80: {  	v3 =	vmul.f32 $1.442695020e+00, v3;
	[tilespmem:v9+s11+$0x0] =	vst.idx.add.f32.msk $0xffff, v16;
	v41 =	vpop (erf);
	v7 =	vadd.s32 v13, v39;
	(erf) = vpow2.f32 v10  }
0x81: {  	v11 =	vmul.f32 $1.442695020e+00, v42;
	v9 =	vadd.s32 v61, v39;
	v40 =	vpop (erf);
	(erf) = vpow2.f32 v4;
	[tilespmem:v5+s11+$0x0] =	vst.idx.add.f32.msk $0xffff, v62  }
0x82: {  	v63 =	vmul.f32 $1.442695020e+00, v63;
	v4 =	vadd.s32 v14, v39;
	v42 =	vpop (erf);
	(erf) = vpow2.f32 v3;
	[tilespmem:v1+s11+$0x0] =	vst.idx.add.f32.msk $0xffff, v0  }
0x83: {  	p0 =	sne.s32 s20, $0xF0;
	v43 =	vpop (erf);
	v62 =	vadd.s32 v15, v39;
	(erf) = vpow2.f32 v11;
	[tilespmem:v57+s11+$0x0] =	vst.idx.add.f32.msk $0xffff, v51  }
.Ltmp1:
0x84: {  	v47 =	vmul.f32 $1.442695020e+00, v48;
	v39 =	vmov v60;
	(erf) = vpow2.f32 v63;
	v51 =	vpop (erf);
	[tilespmem:v12+s11+$0x0] =	vst.idx.add.f32.msk $0xffff, v56;
	(pc) =	sbr.rel @p0 .LBB2_4-.Ltmp1, $4  }
0x85: {  	v58 =	vadd.s32 v59, v39;
	(erf) = vpow2.f32 v46;
	v49 =	vpop (erf);
	[tilespmem:v7+s11+$0x0] =	vst.idx.add.f32.msk $0xffff, v53  }
0x86: {  	s18 =	smov.u32 s20;
	v57 =	vadd.f32 v42, v40;
	v63 =	vpop (erf);
	(erf) = vpow2.f32 v47;
	v53 =	vmul.f32 v49, v6;
	[tilespmem:v9+s11+$0x0] =	vst.idx.add.f32.msk $0xffff, v55  }
0x87: {  	s18 =	sadd.s32 $0x10, s20;
	v48 =	vmul.f32 v49, v52;
	v46 =	vmul.f32 v49, v37;
	v37 =	vpop (erf);
	[tilespmem:v4+s11+$0x0] =	vst.idx.add.f32.msk $0xffff, v54  }
0x88: {  	s17 =	sadd.s32 $0x80, s17;
	s16 =	sadd.s32 $0x10, s16;
	s20 =	smov.u32 s18;
	v47 =	vmul.f32 v49, v35;
	v45 =	vmul.f32 v49, v44;
	v35 =	vmov v63;
	v52 =	vpop (erf);
	[tilespmem:v62+s11+$0x0] =	vst.idx.add.f32.msk $0xffff, v50  }
0x89: {  	v0 =	vpop (erf)  }
0x8a: {  	v1 =	vpop (erf)  }
0x8b: {  	v3 =	vpop (erf)  }
0x8c: {  	v4 =	vpop (erf)  }
0x8d: {  	v5 =	vpop (erf)  }
0x8e: {  	v7 =	vpop (erf)  }
0x8f: {  	v9 =	vadd.f32 v35, v37;
	v10 =	vpop (erf);
	v11 =	vadd.f32 v5, v7  }
0x90: {  	v44 =	vadd.s32 v18, v39;
	v8 =	vadd.f32 v51, v1;
	v12 =	vadd.f32 v10, v52  }
0x91: {  	v9 =	vadd.f32 v9, v11;
	v11 =	vadd.s32 v19, v39  }
0x92: {  	v54 =	vadd.f32 v43, v38;
	v62 =	vadd.s32 v20, v39;
	v8 =	vadd.f32 v12, v8  }
0x93: {  	v6 =	vadd.f32 v41, v3;
	v50 =	vadd.f32 v0, v4  }
0x94: {  	[tilespmem:v58+s11+$0x0] =	vst.idx.add.f32.msk $0xffff, v53;
	v8 =	vadd.f32 v8, v9;
	v9 =	vadd.s32 v21, v39  }
0x95: {  	[tilespmem:v44+s11+$0x0] =	vst.idx.add.f32.msk $0xffff, v48;
	v6 =	vadd.f32 v6, v50;
	v12 =	vadd.f32 v57, v54  }
0x96: {  	[tilespmem:v11+s11+$0x0] =	vst.idx.add.f32.msk $0xffff, v46  }
0x97: {  	v6 =	vadd.f32 v12, v6;
	v12 =	vadd.s32 v22, v39;
	[tilespmem:v62+s11+$0x0] =	vst.idx.add.f32.msk $0xffff, v47  }
0x98: {  	v2 =	vmov v18;
	v18 =	vmov v22;
	v22 =	vld [tilespmem:$0x1FFC0]  }
0x99: {  	[tilespmem:v9+s11+$0x0] =	vst.idx.add.f32.msk $0xffff, v45  }
0x9a: {  	v11 =	vmul.f32 v49, v32;
	v53 =	vld [tilespmem:$0x1FFD0]  }
0x9b: {  	v60 =	vld [tilespmem:$0x1FFE0]  }
0x9c: {  	[tilespmem:v12+s11+$0x0] =	vst.idx.add.f32.msk $0xffff, v11  }
0x9d: {  	v63 =	vadd.s32 v23, v39;
	v55 =	vld [tilespmem:$0x1FFF0]  }
0x9e: {  	v6 =	vadd.f32 v6, v8;
	v8 =	vadd.s32 v24, v39  }
0x9f: {  	v57 =	vadd.s32 v22, v39  }
0xa0: {  	v33 =	vmul.f32 v49, v33;
	v44 =	vld [tilespmem:s16+$0x0];
	(erf) = vrcp.f32 v6;
	v58 =	vadd.s32 v53, v39  }
0xa1: {  	v9 =	vmul.f32 v49, v36;
	v62 =	vadd.s32 v60, v39  }
0xa2: {  	v11 =	vmul.f32 v49, v34;
	[tilespmem:v63+s11+$0x0] =	vst.idx.add.f32.msk $0xffff, v33;
	v12 =	vadd.s32 v55, v39  }
0xa3: {  	v30 =	vmul.f32 v49, v30;
	v63 =	vadd.s32 v13, v39;
	[tilespmem:v8+s11+$0x0] =	vst.idx.add.f32.msk $0xffff, v9  }
0xa4: {  	v8 =	vmul.f32 v49, v31;
	v9 =	vadd.s32 v61, v39;
	[tilespmem:v57+s11+$0x0] =	vst.idx.add.f32.msk $0xffff, v11  }
0xa5: {  	v31 =	vadd.s32 v14, v39;
	v11 =	vmul.f32 v49, v28;
	v28 =	vmul.u32 $0x110, v44;
	[tilespmem:v58+s11+$0x0] =	vst.idx.add.f32.msk $0xffff, v30  }
0xa6: {  	v34 =	vmul.f32 v49, v27;
	v27 =	vadd.s32 v15, v39;
	[tilespmem:v62+s11+$0x0] =	vst.idx.add.f32.msk $0xffff, v8  }
0xa7: {  	v8 =	vmul.f32 v49, v29;
	v29 =	vadd.s32 v59, v28;
	[tilespmem:v12+s11+$0x0] =	vst.idx.add.f32.msk $0xffff, v11  }
0xa8: {  	v36 =	vadd.s32 v2, v28;
	v11 =	vmul.f32 v49, v25;
	[tilespmem:v63+s11+$0x0] =	vst.idx.add.f32.msk $0xffff, v34  }
0xa9: {  	v12 =	vmul.f32 v49, v26;
	v25 =	vpop (erf);
	[tilespmem:v9+s11+$0x0] =	vst.idx.add.f32.msk $0xffff, v8;
	v8 =	vadd.s32 v19, v28  }
0xaa: {  	v7 =	vmul.f32 v25, v7;
	v9 =	vadd.s32 v20, v28;
	[tilespmem:v31+s11+$0x0] =	vst.idx.add.f32.msk $0xffff, v11  }
0xab: {  	v5 =	vmul.f32 v25, v5;
	v11 =	vadd.s32 v21, v28;
	[tilespmem:v27+s11+$0x0] =	vst.idx.add.f32.msk $0xffff, v12  }
0xac: {  	v12 =	vmul.f32 v25, v37;
	[tilespmem:v29+s11+$0x0] =	vst.idx.add.f32.msk $0xffff, v7;
	v37 =	vadd.s32 v18, v28  }
0xad: {  	v39 =	vadd.s32 v23, v28;
	v26 =	vmul.f32 v25, v35;
	[tilespmem:v36+s11+$0x0] =	vst.idx.add.f32.msk $0xffff, v5  }
0xae: {  	v44 =	vadd.s32 v24, v28;
	v1 =	vmul.f32 v25, v1;
	[tilespmem:v8+s11+$0x0] =	vst.idx.add.f32.msk $0xffff, v12  }
0xaf: {  	v8 =	vmul.f32 v25, v51;
	[tilespmem:v9+s11+$0x0] =	vst.idx.add.f32.msk $0xffff, v26;
	v9 =	vadd.s32 v22, v28  }
0xb0: {  	v12 =	vmul.f32 v25, v52;
	[tilespmem:v11+s11+$0x0] =	vst.idx.add.f32.msk $0xffff, v1;
	v1 =	vadd.s32 v53, v28  }
0xb1: {  	v10 =	vmul.f32 v25, v10;
	v11 =	vadd.s32 v60, v28;
	[tilespmem:v37+s11+$0x0] =	vst.idx.add.f32.msk $0xffff, v8  }
0xb2: {  	v45 =	vadd.s32 v55, v28;
	v4 =	vmul.f32 v25, v4;
	[tilespmem:v39+s11+$0x0] =	vst.idx.add.f32.msk $0xffff, v12  }
0xb3: {  	v0 =	vmul.f32 v25, v0;
	[tilespmem:v44+s11+$0x0] =	vst.idx.add.f32.msk $0xffff, v10  }
0xb4: {  	v46 =	vadd.s32 v13, v28;
	v3 =	vmul.f32 v25, v3;
	[tilespmem:v9+s11+$0x0] =	vst.idx.add.f32.msk $0xffff, v4  }
0xb5: {  	v54 =	vmul.f32 v25, v41;
	[tilespmem:v1+s11+$0x0] =	vst.idx.add.f32.msk $0xffff, v0  }
0xb6: {  	v47 =	vadd.s32 v61, v28;
	[tilespmem:v11+s11+$0x0] =	vst.idx.add.f32.msk $0xffff, v3  }
0xb7: {  	v0 =	vmul.f32 v25, v38;
	[tilespmem:v45+s11+$0x0] =	vst.idx.add.f32.msk $0xffff, v54  }
0xb8: {  	v8 =	vadd.s32 v14, v28;
	v52 =	vld [tilespmem:$0x1FFB0]  }
0xb9: {  	v3 =	vmul.f32 v25, v43;
	[tilespmem:v46+s11+$0x0] =	vst.idx.add.f32.msk $0xffff, v0  }
0xba: {  	v1 =	vadd.s32 v15, v28;
	v51 =	vld [tilespmem:$0x1FFA0]  }
0xbb: {  	v56 =	vmul.f32 v25, v40;
	[tilespmem:v47+s11+$0x0] =	vst.idx.add.f32.msk $0xffff, v3  }
0xbc: {  	v50 =	vld [tilespmem:$0x1FF90]  }
0xbd: {  	v57 =	vmul.f32 v25, v42;
	[tilespmem:v8+s11+$0x0] =	vst.idx.add.f32.msk $0xffff, v56  }
0xbe: {  	v49 =	vld [tilespmem:$0x1FF80]  }
0xbf: {  	v9 =	vlaneseq.u32;
	[tilespmem:v1+s11+$0x0] =	vst.idx.add.f32.msk $0xffff, v57  }
0xc0: {  	v8 =	vadd.s32 s15, v9;
	v48 =	vld [tilespmem:$0x1FF70]  }
0xc1: {  	v55 =	vadd.s32 s15, v52  }
0xc2: {  	s31 =	simm.s32 $0x11;
	v47 =	vld [tilespmem:$0x1FF60];
	v0 =	vadd.s32 s15, v51  }
0xc3: {  	v16 =	vld [tilespmem:$0x1FF50];
	v63 =	vadd.s32 s31, v51  }
0xc4: {  	v3 =	vadd.s32 s15, v50  }
0xc5: {  	v39 =	vld.idx.msk [tilespmem:v8+s11+$0x0], $0xffff;
	v1 =	vadd.s32 s15, v48  }
0xc6: {  	v58 =	vadd.s32 s15, v49;
	v4 =	vld.idx.msk [tilespmem:v55+s11+$0x0], $0xffff  }
0xc7: {  	v60 =	vadd.s32 s15, v47;
	v0 =	vld.idx.msk [tilespmem:v0+s11+$0x0], $0xffff  }
0xc8: {  	v62 =	vadd.s32 s15, v16;
	v31 =	vld.idx.msk [tilespmem:v63+s11+$0x0], $0xffff  }
0xc9: {  	v35 =	vld.idx.msk [tilespmem:v3+s11+$0x0], $0xffff;
	v3 =	vadd.s32 s31, v52  }
0xca: {  	v29 =	vld.idx.msk [tilespmem:v1+s11+$0x0], $0xffff;
	v1 =	vadd.s32 s31, v50  }
0xcb: {  	v40 =	vadd.s32 s31, v49;
	v25 =	vld.idx.msk [tilespmem:v58+s11+$0x0], $0xffff  }
0xcc: {  	v33 =	vimm.f32 $0.0e+00;
	v42 =	vimm.f32 $0.0e+00;
	v41 =	vadd.s32 s31, v48;
	v32 =	vld.idx.msk [tilespmem:v60+s11+$0x0], $0xffff  }
0xcd: {  	v37 =	vimm.f32 $0.0e+00;
	v12 =	vmovc v21;
	v10 =	vmovc v19;
	v28 =	vimm.f32 $0.0e+00;
	v44 =	vadd.s32 s31, v47;
	v34 =	vld.idx.msk [tilespmem:v62+s11+$0x0], $0xffff  }
0xce: {  	v19 =	vmovc v23;
	v38 =	vimm.f32 $0.0e+00;
	v43 =	vimm.f32 $0.0e+00;
	v11 =	vmovc v20;
	v45 =	vadd.s32 s31, v16;
	v30 =	vld.idx.msk [tilespmem:v3+s11+$0x0], $0xffff  }
0xcf: {  	v20 =	vmovc v24;
	v46 =	vadd.s32 s31, v9;
	s15 =	simm.s32 $0x22;
	v27 =	vadd.f32 v4, v28;
	v26 =	vadd.f32 v0, v28;
	v36 =	vld.idx.msk [tilespmem:v1+s11+$0x0], $0xffff  }
.LBB2_6:
0xd0: {  	v0 =	vadd.s32 s15, v52;
	p0 =	sne.s32 s15, $0xFF;
	v28 =	vadd.f32 v25, v28;
	v25 =	vld.idx.msk [tilespmem:v40+s11+$0x0], $0xffff;
	v33 =	vadd.f32 v35, v33  }
0xd1: {  	v1 =	vadd.s32 s15, v51;
	v37 =	vadd.f32 v32, v37;
	v38 =	vadd.f32 v29, v38;
	v29 =	vld.idx.msk [tilespmem:v41+s11+$0x0], $0xffff  }
0xd2: {  	v3 =	vadd.s32 s15, v50;
	v42 =	vadd.f32 v34, v42;
	v43 =	vadd.f32 v39, v43;
	v32 =	vld.idx.msk [tilespmem:v44+s11+$0x0], $0xffff  }
.Ltmp2:
0xd3: {  	v40 =	vadd.s32 s15, v49;
	v4 =	vmov v30;
	v34 =	vld.idx.msk [tilespmem:v45+s11+$0x0], $0xffff;
	(pc) =	sbr.rel @p0 .LBB2_6-.Ltmp2, $4  }
0xd4: {  	v41 =	vadd.s32 s15, v48;
	v5 =	vmov v31;
	v39 =	vld.idx.msk [tilespmem:v46+s11+$0x0], $0xffff  }
0xd5: {  	v44 =	vadd.s32 s15, v47;
	v35 =	vmov v36;
	v30 =	vld.idx.msk [tilespmem:v0+s11+$0x0], $0xffff  }
0xd6: {  	v45 =	vadd.s32 s15, v16;
	v31 =	vld.idx.msk [tilespmem:v1+s11+$0x0], $0xffff  }
0xd7: {  	v27 =	vadd.f32 v4, v27;
	v46 =	vadd.s32 s15, v9;
	s15 =	sadd.s32 $0x11, s15;
	v26 =	vadd.f32 v5, v26;
	v36 =	vld.idx.msk [tilespmem:v3+s11+$0x0], $0xffff  }
0xd8: {  	_ =	sdelay $0x3  }
0xd9: {  	v0 =	vld.idx.msk [tilespmem:v46+s11+$0x0], $0xffff  }
0xda: {  	v1 =	vld.idx.msk [tilespmem:v45+s11+$0x0], $0xffff  }
0xdb: {  	v3 =	vld.idx.msk [tilespmem:v44+s11+$0x0], $0xffff  }
0xdc: {  	v4 =	vld.idx.msk [tilespmem:v41+s11+$0x0], $0xffff;
	v5 =	vadd.f32 v39, v43  }
0xdd: {  	v6 =	vld.idx.msk [tilespmem:v40+s11+$0x0], $0xffff;
	v7 =	vadd.f32 v34, v42  }
0xde: {  	v8 =	vadd.f32 v32, v37;
	v0 =	vadd.f32 v0, v5  }
0xdf: {  	v62 =	vadd.f32 v29, v38;
	v1 =	vadd.f32 v1, v7  }
0xe0: {  	v63 =	vadd.f32 v25, v28;
	v3 =	vadd.f32 v3, v8;
	[tilespmem:$0x1980] =	vst v0  }
0xe1: {  	v4 =	vadd.f32 v4, v62;
	[tilespmem:$0x1A00] =	vst v1  }
0xe2: {  	v0 =	vadd.f32 v35, v33;
	v1 =	vadd.f32 v6, v63;
	[tilespmem:$0x1A80] =	vst v3  }
0xe3: {  	[tilespmem:$0x1B00] =	vst v4;
	v3 =	vadd.f32 v31, v26  }
0xe4: {  	v0 =	vadd.f32 v36, v0;
	[tilespmem:$0x1B80] =	vst v1  }
0xe5: {  	s14 =	sadd.s32 $0x1, s14;
	v1 =	vadd.f32 v30, v27;
	[tilespmem:$0x1C80] =	vst v3  }
0xe6: {  	p0 =	sne.s32 s14, s6;
	[tilespmem:$0x1C00] =	vst v0  }
.Ltmp3:
0xe7: {  	[tilespmem:$0x1D00] =	vst v1;
	(pc) =	sbr.rel @p0 .LBB2_1-.Ltmp3, $4  }
0xe8: {  	[hbm4b:s5+s2] =	stream.linear.scatter [tilespmem:s12], [sflag:$0x2], $0x400, $0x38;
	[tilespmem:$0x1D80] =	vst v63  }
0xe9: {  	_ =	swait.ge [sflag:s13], $0x400  }
0xea: {  	[sflag:s13] =	ssyncset.done $0x0  }
0xeb: {  	[sflag:s13] =	ssyncadd.s32 $0xFFFFFC00  }
0xec: {  	_ =	sfence.sel $0x180000  }
0xed: {  	[bflag:$0x0] =	sbarrier.arrive $0xFFFF  }
0xee: {  	p0 =	sne.s32 s0, $0x0;
	_ =	strace $0x90000047  }
0xef: {  	s0 =	sadd.s32 @!p0 $0x100000, s1;
	[bflag:$0x2] =	sbarrier.arrive $0xFFFF  }
0xf0: {  	[sflag:s0] =	ssyncadd.tile.s32 @!p0 $0x1;
	_ =	shalt  }
.Lfunc_end2:
_tile_overlayer_lowered:
.L_overlay_start_2:
0xf1: {  	(tag) =	ssettag $0x2  }
0xf2: {  	s0 =	rddreg [dreg:$0x0];
	s2 =	stileid.u32  }
0xf3: {  	s1 =	rddreg [dreg:$0x1];
	p0 =	sne.s32 s2, $0x0  }
0xf4: {  	s3 =	rddreg [dreg:$0x2];
	[bflag:$0x3] =	sbarrier.arrive $0xFFFF;
	s2 =	simm.s32 @!p0 $0x1C02  }
0xf5: {  	[timem:s3], [sflag:s2] =	dma.local @!p0 [hbm:s0], s1  }
0xf6: {  	s0 =	simm.s32 @!p0 $0x2  }
0xf7: {  	_ =	swait.ge @!p0 [sflag:s0], s1  }
0xf8: {  	s1 =	ssub.s32 @!p0 $0x0, s1;
	[sflag:s0] =	ssyncset.done @!p0 $0x0  }
0xf9: {  	[sflag:s0] =	ssyncadd.s32 @!p0 s1  }
0xfa: {  	[bflag:$0x3] =	sbarrier.arrive $0xFFFF  }
0xfb: {  	_ =	shalt  }

</sc_bundles>
